<compile_context>
chip_gen: v7x
topology: tpu7x:2x2x1
jax: 0.10.2.dev20260603
libtpu: 0.0.44.dev20260713+nightly
codegen_flags: <defaults>
</compile_context>

<pallas_src>
import functools

import jax
import jax.numpy as jnp
from jax import lax
from jax.experimental import pallas as pl
from jax.experimental.pallas import tpu as pltpu
from jax.experimental.pallas import tpu_sc as plsc

B = 16
T = 11
S = 512
H = 1024
BB = 4
L = 16
HC = H // L



def _sc_body(hai_hbm, mtl_hbm, w_hbm, smi_hbm,
             probs_hbm, mtl_out_hbm,
             hai_v, w_v, mtl_v, out_v, vec_v, smi_v, sem):
    i = lax.axis_index("s")

    copies = [
        pltpu.async_copy(hai_hbm.at[i], hai_v, sem),
        pltpu.async_copy(w_hbm, w_v, sem),
        pltpu.async_copy(mtl_hbm.at[i], mtl_v, sem),
        pltpu.async_copy(smi_hbm, smi_v, sem),
    ]
    for c in copies:
        c.wait()

    acc = jnp.zeros((L,), jnp.float32)
    for c in range(HC):
        acc = acc + hai_v[pl.ds(c * L, L)] * w_v[pl.ds(c * L, L)]
    l = jnp.sum(acc)

    lane = lax.broadcasted_iota(jnp.int32, (L,), 0).astype(jnp.float32)
    sel = (lane == i.astype(jnp.float32)).astype(jnp.float32)
    sm_i = jnp.sum(smi_v[...].astype(jnp.float32) * sel)

    logits = jnp.where(lane == float(T - 1), l, 0.0)
    maskv = ((lane >= float(T) - sm_i) & (lane <= float(T - 1)))
    e = jnp.exp(logits) * maskv.astype(jnp.float32)
    probs = e / jnp.sum(e)
    vec_v[...] = probs

    p = jnp.sum(probs * jnp.where(lane == float(T - 1), 1.0, 0.0))
    for c in range(HC):
        out_v[pl.ds(c * L, L)] = mtl_v[pl.ds(c * L, L)] * p

    outs = [
        pltpu.async_copy(vec_v, probs_hbm.at[i], sem),
        pltpu.async_copy(out_v, mtl_out_hbm.at[i], sem),
    ]
    for c in outs:
        c.wait()


def _sc_probs_mtl(hai, mtl, w_flat, smi):
    mesh = plsc.VectorSubcoreMesh(
        core_axis_name="c", subcore_axis_name="s", num_cores=1)
    fn = functools.partial(
        pl.kernel, _sc_body, mesh=mesh,
        compiler_params=pltpu.CompilerParams(
            needs_layout_passes=False, skip_device_barrier=True),
        out_type=(
            jax.ShapeDtypeStruct((B, L), jnp.float32),
            jax.ShapeDtypeStruct((B, H), jnp.float32),
        ),
        scratch_types=[
            pltpu.VMEM((H,), jnp.float32),
            pltpu.VMEM((H,), jnp.float32),
            pltpu.VMEM((H,), jnp.float32),
            pltpu.VMEM((H,), jnp.float32),
            pltpu.VMEM((L,), jnp.float32),
            pltpu.VMEM((L,), jnp.int32),
            pltpu.SemaphoreType.DMA,
        ],
    )()
    return fn(hai, mtl, w_flat, smi)



def _tc_step(bert_ref, hai_ref, w_ref, smi_ref, bert_out_ref):
    l = jnp.sum(hai_ref[:, 0, :] * w_ref[...], axis=1, keepdims=True)
    t = lax.broadcasted_iota(jnp.int32, (1, T), 1).astype(jnp.float32)
    logits = jnp.where(t == float(T - 1), l, 0.0)
    smf = smi_ref[:, 0, :].astype(jnp.float32)
    mask = (t >= (float(T) - smf)).astype(jnp.float32)
    e = jnp.exp(logits) * mask
    p = (e[:, T - 1] / jnp.sum(e, axis=1)).reshape(BB, 1, 1)
    bert_out_ref[...] = bert_ref[...] * p


def kernel(bert_representation, mtl_input, slice_mask, slice_num,
           history_attention_input, W):
    del slice_num
    smi = slice_mask.astype(jnp.int32)
    hai3 = history_attention_input.reshape(B, 1, H)

    bert_out = pl.pallas_call(
        _tc_step,
        grid=(B // BB,),
        in_specs=[
            pl.BlockSpec((BB, S, H), lambda i: (i, 0, 0)),
            pl.BlockSpec((BB, 1, H), lambda i: (i, 0, 0)),
            pl.BlockSpec((1, H), lambda i: (0, 0)),
            pl.BlockSpec((BB, 1, 1), lambda i: (i, 0, 0)),
        ],
        out_specs=pl.BlockSpec((BB, S, H), lambda i: (i, 0, 0)),
        out_shape=jax.ShapeDtypeStruct((B, S, H), jnp.float32),
    )(bert_representation, hai3, W, smi.reshape(B, 1, 1))

    probs16, new_mtl = _sc_probs_mtl(
        history_attention_input, mtl_input, W.reshape(H), smi)

    return (bert_out, new_mtl, probs16[:, :T])

# --- scband reference (transcript-rebuilt; emitter-appended) ---
"""Pipeline reference for scband-history-attention-net-83794811945317 (READ-ONLY COPY).

The authoritative reference and input builder live on the scoring server;
editing this copy changes nothing except your own understanding.
"""

import jax, jax.numpy as jnp
import numpy as np

BATCH_SIZE = 16
T = 11  # max_considered_history_turns
S = 512  # max_seq_length
H = 1024  # bert_hidden


def _pad_group_stack(x, batch_size, max_turns):
    # emulate torch.split + ZeroPad2d((0,0,max_turns-num,0)) + stack
    padded = []
    for i in range(batch_size):
        seg = x[i:i + 1]
        pad_width = [(max_turns - 1, 0)] + [(0, 0)] * (x.ndim - 1)
        padded.append(jnp.pad(seg, pad_width))
    return jnp.stack(padded, axis=0)


def setup_inputs(seed: int = 0) -> dict:
    key = jax.random.key(seed)
    k1, k2, k3, k4 = jax.random.split(key, 4)
    bert_representation = jax.random.normal(k1, (BATCH_SIZE, S, H), dtype=jnp.float32)
    mtl_input = jax.random.normal(k2, (BATCH_SIZE, H), dtype=jnp.float32)
    history_attention_input = jax.random.normal(k3, (BATCH_SIZE, H), dtype=jnp.float32)
    slice_mask = np.ones((BATCH_SIZE,), dtype=np.int64)  # each example is its own group
    slice_num = BATCH_SIZE
    W = jax.random.normal(k4, (1, H), dtype=jnp.float32) * 0.02  # layer_linear weight, no bias
    return {
        "bert_representation": bert_representation,
        "mtl_input": mtl_input,
        "slice_mask": slice_mask,
        "slice_num": slice_num,
        "history_attention_input": history_attention_input,
        "W": W,
    }


def reference(bert_representation, mtl_input, slice_mask, slice_num, history_attention_input, W):
    sm = slice_mask.astype(jnp.int64)
    batch_size = slice_mask.shape[0]
    slice_num_zero = (jnp.asarray(slice_num) - batch_size).astype(jnp.float32)
    pad_rows = 0

    # sequence-level attention logits
    hai = jnp.pad(history_attention_input, ((0, pad_rows), (0, 0)))
    input_tensor = _pad_group_stack(hai, batch_size, T)  # [B, T, H]
    logits = jnp.squeeze(input_tensor @ W.T, axis=2) + slice_num_zero  # [B, T]

    # flipped sequence mask: last sm[i] positions are valid
    ar = jnp.arange(T)
    logits_mask = (ar[None, :] >= (T - sm)[:, None]).astype(jnp.float32)
    exp_logits_masked = jnp.exp(logits) * logits_mask
    probs = exp_logits_masked / jnp.sum(exp_logits_masked, axis=1, keepdims=True)
    probs = probs[..., None]  # [slice_num, T, 1]

    # aggregate sequence-level representation
    mtl = jnp.pad(mtl_input, ((0, pad_rows), (0, 0)))
    mtl_t = _pad_group_stack(mtl, batch_size, T)  # [slice_num, T, H]
    new_mtl_input = jnp.sum(mtl_t * probs, axis=1)

    # aggregate token-level representation
    br = jnp.pad(bert_representation, ((0, pad_rows), (0, 0), (0, 0)))
    token_tensor = _pad_group_stack(br, batch_size, T)  # [slice_num, T, S, H]
    probs4 = probs[..., None]  # [slice_num, T, 1, 1]
    new_bert_representation = jnp.sum(token_tensor * probs4, axis=1)
    probs_out = jnp.squeeze(probs4)
    return (new_bert_representation, new_mtl_input, probs_out)

if __name__ == "__main__":
    import jax
    _d = setup_inputs()
    print(jax.jit(kernel)(*tuple(_d.values())))

</pallas_src>

<mosaic_0001>
#map = affine_map<(d0, d1) -> (0, 0)>
#map1 = affine_map<(d0, d1) -> (0)>
module attributes {stable_mosaic.version = 14 : i64} {
  func.func @_sc_body(%arg0: i32, %arg1: i32, %arg2: memref<16x1024xf32, #tpu.memory_space<hbm>>, %arg3: memref<16x1024xf32, #tpu.memory_space<hbm>>, %arg4: memref<1024xf32, #tpu.memory_space<hbm>>, %arg5: memref<16xi32, #tpu.memory_space<hbm>>, %arg6: memref<16x16xf32, #tpu.memory_space<hbm>>, %arg7: memref<16x1024xf32, #tpu.memory_space<hbm>>, %arg8: memref<1024xf32, #tpu.memory_space<vmem>>, %arg9: memref<1024xf32, #tpu.memory_space<vmem>>, %arg10: memref<1024xf32, #tpu.memory_space<vmem>>, %arg11: memref<1024xf32, #tpu.memory_space<vmem>>, %arg12: memref<16xf32, #tpu.memory_space<vmem>>, %arg13: memref<16xi32, #tpu.memory_space<vmem>>, %arg14: memref<!tpu.dma_semaphore, #tpu.memory_space<semaphore_mem>>) attributes {dimension_semantics = [#tpu.dimension_semantics<core_parallel>, #tpu.dimension_semantics<subcore_parallel>], iteration_bounds = array<i64: 1, 16>, scalar_prefetch = 0 : i64, scratch_operands = 7 : i64, tpu.core_type = #tpu.core_type<sc_vector_subcore>, window_params = [{transform_indices = #map}, {transform_indices = #map}, {transform_indices = #map1}, {transform_indices = #map1}, {transform_indices = #map}, {transform_indices = #map}]} {
    %dma_start3A = arith.constant 0 : i32
    %dma_start3A_0 = tpu.memref_slice %arg2[%arg1, %dma_start3A] : memref<16x1024xf32, #tpu.memory_space<hbm>> -> memref<1x1024xf32, #tpu.memory_space<hbm>>
    %dma_start3A_1 = tpu.memref_squeeze %dma_start3A_0 : memref<1x1024xf32, #tpu.memory_space<hbm>> -> memref<1024xf32, #tpu.memory_space<hbm>>
    %dma_start3A_2 = arith.constant 0 : i32
    %dma_start3A_3 = tpu.memref_slice %arg2[%arg1, %dma_start3A_2] : memref<16x1024xf32, #tpu.memory_space<hbm>> -> memref<1x1024xf32, #tpu.memory_space<hbm>>
    %dma_start3A_4 = tpu.memref_squeeze %dma_start3A_3 : memref<1x1024xf32, #tpu.memory_space<hbm>> -> memref<1024xf32, #tpu.memory_space<hbm>>
    tpu.enqueue_dma source(%dma_start3A_4 : memref<1024xf32, #tpu.memory_space<hbm>>) target(%arg8 : memref<1024xf32, #tpu.memory_space<vmem>>) target_semaphore(%arg14 : memref<!tpu.dma_semaphore, #tpu.memory_space<semaphore_mem>>)
    tpu.enqueue_dma source(%arg4 : memref<1024xf32, #tpu.memory_space<hbm>>) target(%arg9 : memref<1024xf32, #tpu.memory_space<vmem>>) target_semaphore(%arg14 : memref<!tpu.dma_semaphore, #tpu.memory_space<semaphore_mem>>)
    %dma_start3A_5 = arith.constant 0 : i32
    %dma_start3A_6 = tpu.memref_slice %arg3[%arg1, %dma_start3A_5] : memref<16x1024xf32, #tpu.memory_space<hbm>> -> memref<1x1024xf32, #tpu.memory_space<hbm>>
    %dma_start3A_7 = tpu.memref_squeeze %dma_start3A_6 : memref<1x1024xf32, #tpu.memory_space<hbm>> -> memref<1024xf32, #tpu.memory_space<hbm>>
    %dma_start3A_8 = arith.constant 0 : i32
    %dma_start3A_9 = tpu.memref_slice %arg3[%arg1, %dma_start3A_8] : memref<16x1024xf32, #tpu.memory_space<hbm>> -> memref<1x1024xf32, #tpu.memory_space<hbm>>
    %dma_start3A_10 = tpu.memref_squeeze %dma_start3A_9 : memref<1x1024xf32, #tpu.memory_space<hbm>> -> memref<1024xf32, #tpu.memory_space<hbm>>
    tpu.enqueue_dma source(%dma_start3A_10 : memref<1024xf32, #tpu.memory_space<hbm>>) target(%arg10 : memref<1024xf32, #tpu.memory_space<vmem>>) target_semaphore(%arg14 : memref<!tpu.dma_semaphore, #tpu.memory_space<semaphore_mem>>)
    tpu.enqueue_dma source(%arg5 : memref<16xi32, #tpu.memory_space<hbm>>) target(%arg13 : memref<16xi32, #tpu.memory_space<vmem>>) target_semaphore(%arg14 : memref<!tpu.dma_semaphore, #tpu.memory_space<semaphore_mem>>)
    %dma_wait3A = arith.constant 0 : i32
    %dma_wait3A_11 = tpu.memref_slice %arg2[%arg1, %dma_wait3A] : memref<16x1024xf32, #tpu.memory_space<hbm>> -> memref<1x1024xf32, #tpu.memory_space<hbm>>
    %dma_wait3A_12 = tpu.memref_squeeze %dma_wait3A_11 : memref<1x1024xf32, #tpu.memory_space<hbm>> -> memref<1024xf32, #tpu.memory_space<hbm>>
    %dma_wait3A_13 = arith.constant 0 : i32
    %dma_wait3A_14 = tpu.memref_slice %arg2[%arg1, %dma_wait3A_13] : memref<16x1024xf32, #tpu.memory_space<hbm>> -> memref<1x1024xf32, #tpu.memory_space<hbm>>
    %dma_wait3A_15 = tpu.memref_squeeze %dma_wait3A_14 : memref<1x1024xf32, #tpu.memory_space<hbm>> -> memref<1024xf32, #tpu.memory_space<hbm>>
    tpu.wait_dma2 semaphore(%arg14 : memref<!tpu.dma_semaphore, #tpu.memory_space<semaphore_mem>>) src(%dma_wait3A_15 : memref<1024xf32, #tpu.memory_space<hbm>>) dst(%arg8 : memref<1024xf32, #tpu.memory_space<vmem>>)
    tpu.wait_dma2 semaphore(%arg14 : memref<!tpu.dma_semaphore, #tpu.memory_space<semaphore_mem>>) src(%arg4 : memref<1024xf32, #tpu.memory_space<hbm>>) dst(%arg9 : memref<1024xf32, #tpu.memory_space<vmem>>)
    %dma_wait3A_16 = arith.constant 0 : i32
    %dma_wait3A_17 = tpu.memref_slice %arg3[%arg1, %dma_wait3A_16] : memref<16x1024xf32, #tpu.memory_space<hbm>> -> memref<1x1024xf32, #tpu.memory_space<hbm>>
    %dma_wait3A_18 = tpu.memref_squeeze %dma_wait3A_17 : memref<1x1024xf32, #tpu.memory_space<hbm>> -> memref<1024xf32, #tpu.memory_space<hbm>>
    %dma_wait3A_19 = arith.constant 0 : i32
    %dma_wait3A_20 = tpu.memref_slice %arg3[%arg1, %dma_wait3A_19] : memref<16x1024xf32, #tpu.memory_space<hbm>> -> memref<1x1024xf32, #tpu.memory_space<hbm>>
    %dma_wait3A_21 = tpu.memref_squeeze %dma_wait3A_20 : memref<1x1024xf32, #tpu.memory_space<hbm>> -> memref<1024xf32, #tpu.memory_space<hbm>>
    tpu.wait_dma2 semaphore(%arg14 : memref<!tpu.dma_semaphore, #tpu.memory_space<semaphore_mem>>) src(%dma_wait3A_21 : memref<1024xf32, #tpu.memory_space<hbm>>) dst(%arg10 : memref<1024xf32, #tpu.memory_space<vmem>>)
    tpu.wait_dma2 semaphore(%arg14 : memref<!tpu.dma_semaphore, #tpu.memory_space<semaphore_mem>>) src(%arg5 : memref<16xi32, #tpu.memory_space<hbm>>) dst(%arg13 : memref<16xi32, #tpu.memory_space<vmem>>)
    %broadcast_in_dim3A = arith.constant 0.000000e+00 : f32
    %broadcast_in_dim3A_22 = vector.broadcast %broadcast_in_dim3A : f32 to vector<16xf32>
    %get3A = arith.constant 0 : index
    %get3A_23 = tpu.vector_load %arg8[%get3A] {strides = array<i32>} : memref<1024xf32, #tpu.memory_space<vmem>>, vector<16xf32>,
    %get3A_24 = arith.constant 0 : index
    %get3A_25 = tpu.vector_load %arg9[%get3A_24] {strides = array<i32>} : memref<1024xf32, #tpu.memory_space<vmem>>, vector<16xf32>,
    %mul3A = arith.mulf %get3A_23, %get3A_25 : vector<16xf32>
    %add3A = arith.addf %broadcast_in_dim3A_22, %mul3A : vector<16xf32>
    %get3A_26 = arith.constant 16 : index
    %get3A_27 = tpu.vector_load %arg8[%get3A_26] {strides = array<i32>} : memref<1024xf32, #tpu.memory_space<vmem>>, vector<16xf32>,
    %get3A_28 = arith.constant 16 : index
    %get3A_29 = tpu.vector_load %arg9[%get3A_28] {strides = array<i32>} : memref<1024xf32, #tpu.memory_space<vmem>>, vector<16xf32>,
    %mul3A_30 = arith.mulf %get3A_27, %get3A_29 : vector<16xf32>
    %add3A_31 = arith.addf %add3A, %mul3A_30 : vector<16xf32>
    %get3A_32 = arith.constant 32 : index
    %get3A_33 = tpu.vector_load %arg8[%get3A_32] {strides = array<i32>} : memref<1024xf32, #tpu.memory_space<vmem>>, vector<16xf32>,
    %get3A_34 = arith.constant 32 : index
    %get3A_35 = tpu.vector_load %arg9[%get3A_34] {strides = array<i32>} : memref<1024xf32, #tpu.memory_space<vmem>>, vector<16xf32>,
    %mul3A_36 = arith.mulf %get3A_33, %get3A_35 : vector<16xf32>
    %add3A_37 = arith.addf %add3A_31, %mul3A_36 : vector<16xf32>
    %get3A_38 = arith.constant 48 : index
    %get3A_39 = tpu.vector_load %arg8[%get3A_38] {strides = array<i32>} : memref<1024xf32, #tpu.memory_space<vmem>>, vector<16xf32>,
    %get3A_40 = arith.constant 48 : index
    %get3A_41 = tpu.vector_load %arg9[%get3A_40] {strides = array<i32>} : memref<1024xf32, #tpu.memory_space<vmem>>, vector<16xf32>,
    %mul3A_42 = arith.mulf %get3A_39, %get3A_41 : vector<16xf32>
    %add3A_43 = arith.addf %add3A_37, %mul3A_42 : vector<16xf32>
    %get3A_44 = arith.constant 64 : index
    %get3A_45 = tpu.vector_load %arg8[%get3A_44] {strides = array<i32>} : memref<1024xf32, #tpu.memory_space<vmem>>, vector<16xf32>,
    %get3A_46 = arith.constant 64 : index
    %get3A_47 = tpu.vector_load %arg9[%get3A_46] {strides = array<i32>} : memref<1024xf32, #tpu.memory_space<vmem>>, vector<16xf32>,
    %mul3A_48 = arith.mulf %get3A_45, %get3A_47 : vector<16xf32>
    %add3A_49 = arith.addf %add3A_43, %mul3A_48 : vector<16xf32>
    %get3A_50 = arith.constant 80 : index
    %get3A_51 = tpu.vector_load %arg8[%get3A_50] {strides = array<i32>} : memref<1024xf32, #tpu.memory_space<vmem>>, vector<16xf32>,
    %get3A_52 = arith.constant 80 : index
    %get3A_53 = tpu.vector_load %arg9[%get3A_52] {strides = array<i32>} : memref<1024xf32, #tpu.memory_space<vmem>>, vector<16xf32>,
    %mul3A_54 = arith.mulf %get3A_51, %get3A_53 : vector<16xf32>
    %add3A_55 = arith.addf %add3A_49, %mul3A_54 : vector<16xf32>
    %get3A_56 = arith.constant 96 : index
    %get3A_57 = tpu.vector_load %arg8[%get3A_56] {strides = array<i32>} : memref<1024xf32, #tpu.memory_space<vmem>>, vector<16xf32>,
    %get3A_58 = arith.constant 96 : index
    %get3A_59 = tpu.vector_load %arg9[%get3A_58] {strides = array<i32>} : memref<1024xf32, #tpu.memory_space<vmem>>, vector<16xf32>,
    %mul3A_60 = arith.mulf %get3A_57, %get3A_59 : vector<16xf32>
    %add3A_61 = arith.addf %add3A_55, %mul3A_60 : vector<16xf32>
    %get3A_62 = arith.constant 112 : index
    %get3A_63 = tpu.vector_load %arg8[%get3A_62] {strides = array<i32>} : memref<1024xf32, #tpu.memory_space<vmem>>, vector<16xf32>,
    %get3A_64 = arith.constant 112 : index
    %get3A_65 = tpu.vector_load %arg9[%get3A_64] {strides = array<i32>} : memref<1024xf32, #tpu.memory_space<vmem>>, vector<16xf32>,
    %mul3A_66 = arith.mulf %get3A_63, %get3A_65 : vector<16xf32>
    %add3A_67 = arith.addf %add3A_61, %mul3A_66 : vector<16xf32>
    %get3A_68 = arith.constant 128 : index
    %get3A_69 = tpu.vector_load %arg8[%get3A_68] {strides = array<i32>} : memref<1024xf32, #tpu.memory_space<vmem>>, vector<16xf32>,
    %get3A_70 = arith.constant 128 : index
    %get3A_71 = tpu.vector_load %arg9[%get3A_70] {strides = array<i32>} : memref<1024xf32, #tpu.memory_space<vmem>>, vector<16xf32>,
    %mul3A_72 = arith.mulf %get3A_69, %get3A_71 : vector<16xf32>
    %add3A_73 = arith.addf %add3A_67, %mul3A_72 : vector<16xf32>
    %get3A_74 = arith.constant 144 : index
    %get3A_75 = tpu.vector_load %arg8[%get3A_74] {strides = array<i32>} : memref<1024xf32, #tpu.memory_space<vmem>>, vector<16xf32>,
    %get3A_76 = arith.constant 144 : index
    %get3A_77 = tpu.vector_load %arg9[%get3A_76] {strides = array<i32>} : memref<1024xf32, #tpu.memory_space<vmem>>, vector<16xf32>,
    %mul3A_78 = arith.mulf %get3A_75, %get3A_77 : vector<16xf32>
    %add3A_79 = arith.addf %add3A_73, %mul3A_78 : vector<16xf32>
    %get3A_80 = arith.constant 160 : index
    %get3A_81 = tpu.vector_load %arg8[%get3A_80] {strides = array<i32>} : memref<1024xf32, #tpu.memory_space<vmem>>, vector<16xf32>,
    %get3A_82 = arith.constant 160 : index
    %get3A_83 = tpu.vector_load %arg9[%get3A_82] {strides = array<i32>} : memref<1024xf32, #tpu.memory_space<vmem>>, vector<16xf32>,
    %mul3A_84 = arith.mulf %get3A_81, %get3A_83 : vector<16xf32>
    %add3A_85 = arith.addf %add3A_79, %mul3A_84 : vector<16xf32>
    %get3A_86 = arith.constant 176 : index
    %get3A_87 = tpu.vector_load %arg8[%get3A_86] {strides = array<i32>} : memref<1024xf32, #tpu.memory_space<vmem>>, vector<16xf32>,
    %get3A_88 = arith.constant 176 : index
    %get3A_89 = tpu.vector_load %arg9[%get3A_88] {strides = array<i32>} : memref<1024xf32, #tpu.memory_space<vmem>>, vector<16xf32>,
    %mul3A_90 = arith.mulf %get3A_87, %get3A_89 : vector<16xf32>
    %add3A_91 = arith.addf %add3A_85, %mul3A_90 : vector<16xf32>
    %get3A_92 = arith.constant 192 : index
    %get3A_93 = tpu.vector_load %arg8[%get3A_92] {strides = array<i32>} : memref<1024xf32, #tpu.memory_space<vmem>>, vector<16xf32>,
    %get3A_94 = arith.constant 192 : index
    %get3A_95 = tpu.vector_load %arg9[%get3A_94] {strides = array<i32>} : memref<1024xf32, #tpu.memory_space<vmem>>, vector<16xf32>,
    %mul3A_96 = arith.mulf %get3A_93, %get3A_95 : vector<16xf32>
    %add3A_97 = arith.addf %add3A_91, %mul3A_96 : vector<16xf32>
    %get3A_98 = arith.constant 208 : index
    %get3A_99 = tpu.vector_load %arg8[%get3A_98] {strides = array<i32>} : memref<1024xf32, #tpu.memory_space<vmem>>, vector<16xf32>,
    %get3A_100 = arith.constant 208 : index
    %get3A_101 = tpu.vector_load %arg9[%get3A_100] {strides = array<i32>} : memref<1024xf32, #tpu.memory_space<vmem>>, vector<16xf32>,
    %mul3A_102 = arith.mulf %get3A_99, %get3A_101 : vector<16xf32>
    %add3A_103 = arith.addf %add3A_97, %mul3A_102 : vector<16xf32>
    %get3A_104 = arith.constant 224 : index
    %get3A_105 = tpu.vector_load %arg8[%get3A_104] {strides = array<i32>} : memref<1024xf32, #tpu.memory_space<vmem>>, vector<16xf32>,
    %get3A_106 = arith.constant 224 : index
    %get3A_107 = tpu.vector_load %arg9[%get3A_106] {strides = array<i32>} : memref<1024xf32, #tpu.memory_space<vmem>>, vector<16xf32>,
    %mul3A_108 = arith.mulf %get3A_105, %get3A_107 : vector<16xf32>
    %add3A_109 = arith.addf %add3A_103, %mul3A_108 : vector<16xf32>
    %get3A_110 = arith.constant 240 : index
    %get3A_111 = tpu.vector_load %arg8[%get3A_110] {strides = array<i32>} : memref<1024xf32, #tpu.memory_space<vmem>>, vector<16xf32>,
    %get3A_112 = arith.constant 240 : index
    %get3A_113 = tpu.vector_load %arg9[%get3A_112] {strides = array<i32>} : memref<1024xf32, #tpu.memory_space<vmem>>, vector<16xf32>,
    %mul3A_114 = arith.mulf %get3A_111, %get3A_113 : vector<16xf32>
    %add3A_115 = arith.addf %add3A_109, %mul3A_114 : vector<16xf32>
    %get3A_116 = arith.constant 256 : index
    %get3A_117 = tpu.vector_load %arg8[%get3A_116] {strides = array<i32>} : memref<1024xf32, #tpu.memory_space<vmem>>, vector<16xf32>,
    %get3A_118 = arith.constant 256 : index
    %get3A_119 = tpu.vector_load %arg9[%get3A_118] {strides = array<i32>} : memref<1024xf32, #tpu.memory_space<vmem>>, vector<16xf32>,
    %mul3A_120 = arith.mulf %get3A_117, %get3A_119 : vector<16xf32>
    %add3A_121 = arith.addf %add3A_115, %mul3A_120 : vector<16xf32>
    %get3A_122 = arith.constant 272 : index
    %get3A_123 = tpu.vector_load %arg8[%get3A_122] {strides = array<i32>} : memref<1024xf32, #tpu.memory_space<vmem>>, vector<16xf32>,
    %get3A_124 = arith.constant 272 : index
    %get3A_125 = tpu.vector_load %arg9[%get3A_124] {strides = array<i32>} : memref<1024xf32, #tpu.memory_space<vmem>>, vector<16xf32>,
    %mul3A_126 = arith.mulf %get3A_123, %get3A_125 : vector<16xf32>
    %add3A_127 = arith.addf %add3A_121, %mul3A_126 : vector<16xf32>
    %get3A_128 = arith.constant 288 : index
    %get3A_129 = tpu.vector_load %arg8[%get3A_128] {strides = array<i32>} : memref<1024xf32, #tpu.memory_space<vmem>>, vector<16xf32>,
    %get3A_130 = arith.constant 288 : index
    %get3A_131 = tpu.vector_load %arg9[%get3A_130] {strides = array<i32>} : memref<1024xf32, #tpu.memory_space<vmem>>, vector<16xf32>,
    %mul3A_132 = arith.mulf %get3A_129, %get3A_131 : vector<16xf32>
    %add3A_133 = arith.addf %add3A_127, %mul3A_132 : vector<16xf32>
    %get3A_134 = arith.constant 304 : index
    %get3A_135 = tpu.vector_load %arg8[%get3A_134] {strides = array<i32>} : memref<1024xf32, #tpu.memory_space<vmem>>, vector<16xf32>,
    %get3A_136 = arith.constant 304 : index
    %get3A_137 = tpu.vector_load %arg9[%get3A_136] {strides = array<i32>} : memref<1024xf32, #tpu.memory_space<vmem>>, vector<16xf32>,
    %mul3A_138 = arith.mulf %get3A_135, %get3A_137 : vector<16xf32>
    %add3A_139 = arith.addf %add3A_133, %mul3A_138 : vector<16xf32>
    %get3A_140 = arith.constant 320 : index
    %get3A_141 = tpu.vector_load %arg8[%get3A_140] {strides = array<i32>} : memref<1024xf32, #tpu.memory_space<vmem>>, vector<16xf32>,
    %get3A_142 = arith.constant 320 : index
    %get3A_143 = tpu.vector_load %arg9[%get3A_142] {strides = array<i32>} : memref<1024xf32, #tpu.memory_space<vmem>>, vector<16xf32>,
    %mul3A_144 = arith.mulf %get3A_141, %get3A_143 : vector<16xf32>
    %add3A_145 = arith.addf %add3A_139, %mul3A_144 : vector<16xf32>
    %get3A_146 = arith.constant 336 : index
    %get3A_147 = tpu.vector_load %arg8[%get3A_146] {strides = array<i32>} : memref<1024xf32, #tpu.memory_space<vmem>>, vector<16xf32>,
    %get3A_148 = arith.constant 336 : index
    %get3A_149 = tpu.vector_load %arg9[%get3A_148] {strides = array<i32>} : memref<1024xf32, #tpu.memory_space<vmem>>, vector<16xf32>,
    %mul3A_150 = arith.mulf %get3A_147, %get3A_149 : vector<16xf32>
    %add3A_151 = arith.addf %add3A_145, %mul3A_150 : vector<16xf32>
    %get3A_152 = arith.constant 352 : index
    %get3A_153 = tpu.vector_load %arg8[%get3A_152] {strides = array<i32>} : memref<1024xf32, #tpu.memory_space<vmem>>, vector<16xf32>,
    %get3A_154 = arith.constant 352 : index
    %get3A_155 = tpu.vector_load %arg9[%get3A_154] {strides = array<i32>} : memref<1024xf32, #tpu.memory_space<vmem>>, vector<16xf32>,
    %mul3A_156 = arith.mulf %get3A_153, %get3A_155 : vector<16xf32>
    %add3A_157 = arith.addf %add3A_151, %mul3A_156 : vector<16xf32>
    %get3A_158 = arith.constant 368 : index
    %get3A_159 = tpu.vector_load %arg8[%get3A_158] {strides = array<i32>} : memref<1024xf32, #tpu.memory_space<vmem>>, vector<16xf32>,
    %get3A_160 = arith.constant 368 : index
    %get3A_161 = tpu.vector_load %arg9[%get3A_160] {strides = array<i32>} : memref<1024xf32, #tpu.memory_space<vmem>>, vector<16xf32>,
    %mul3A_162 = arith.mulf %get3A_159, %get3A_161 : vector<16xf32>
    %add3A_163 = arith.addf %add3A_157, %mul3A_162 : vector<16xf32>
    %get3A_164 = arith.constant 384 : index
    %get3A_165 = tpu.vector_load %arg8[%get3A_164] {strides = array<i32>} : memref<1024xf32, #tpu.memory_space<vmem>>, vector<16xf32>,
    %get3A_166 = arith.constant 384 : index
    %get3A_167 = tpu.vector_load %arg9[%get3A_166] {strides = array<i32>} : memref<1024xf32, #tpu.memory_space<vmem>>, vector<16xf32>,
    %mul3A_168 = arith.mulf %get3A_165, %get3A_167 : vector<16xf32>
    %add3A_169 = arith.addf %add3A_163, %mul3A_168 : vector<16xf32>
    %get3A_170 = arith.constant 400 : index
    %get3A_171 = tpu.vector_load %arg8[%get3A_170] {strides = array<i32>} : memref<1024xf32, #tpu.memory_space<vmem>>, vector<16xf32>,
    %get3A_172 = arith.constant 400 : index
    %get3A_173 = tpu.vector_load %arg9[%get3A_172] {strides = array<i32>} : memref<1024xf32, #tpu.memory_space<vmem>>, vector<16xf32>,
    %mul3A_174 = arith.mulf %get3A_171, %get3A_173 : vector<16xf32>
    %add3A_175 = arith.addf %add3A_169, %mul3A_174 : vector<16xf32>
    %get3A_176 = arith.constant 416 : index
    %get3A_177 = tpu.vector_load %arg8[%get3A_176] {strides = array<i32>} : memref<1024xf32, #tpu.memory_space<vmem>>, vector<16xf32>,
    %get3A_178 = arith.constant 416 : index
    %get3A_179 = tpu.vector_load %arg9[%get3A_178] {strides = array<i32>} : memref<1024xf32, #tpu.memory_space<vmem>>, vector<16xf32>,
    %mul3A_180 = arith.mulf %get3A_177, %get3A_179 : vector<16xf32>
    %add3A_181 = arith.addf %add3A_175, %mul3A_180 : vector<16xf32>
    %get3A_182 = arith.constant 432 : index
    %get3A_183 = tpu.vector_load %arg8[%get3A_182] {strides = array<i32>} : memref<1024xf32, #tpu.memory_space<vmem>>, vector<16xf32>,
    %get3A_184 = arith.constant 432 : index
    %get3A_185 = tpu.vector_load %arg9[%get3A_184] {strides = array<i32>} : memref<1024xf32, #tpu.memory_space<vmem>>, vector<16xf32>,
    %mul3A_186 = arith.mulf %get3A_183, %get3A_185 : vector<16xf32>
    %add3A_187 = arith.addf %add3A_181, %mul3A_186 : vector<16xf32>
    %get3A_188 = arith.constant 448 : index
    %get3A_189 = tpu.vector_load %arg8[%get3A_188] {strides = array<i32>} : memref<1024xf32, #tpu.memory_space<vmem>>, vector<16xf32>,
    %get3A_190 = arith.constant 448 : index
    %get3A_191 = tpu.vector_load %arg9[%get3A_190] {strides = array<i32>} : memref<1024xf32, #tpu.memory_space<vmem>>, vector<16xf32>,
    %mul3A_192 = arith.mulf %get3A_189, %get3A_191 : vector<16xf32>
    %add3A_193 = arith.addf %add3A_187, %mul3A_192 : vector<16xf32>
    %get3A_194 = arith.constant 464 : index
    %get3A_195 = tpu.vector_load %arg8[%get3A_194] {strides = array<i32>} : memref<1024xf32, #tpu.memory_space<vmem>>, vector<16xf32>,
    %get3A_196 = arith.constant 464 : index
    %get3A_197 = tpu.vector_load %arg9[%get3A_196] {strides = array<i32>} : memref<1024xf32, #tpu.memory_space<vmem>>, vector<16xf32>,
    %mul3A_198 = arith.mulf %get3A_195, %get3A_197 : vector<16xf32>
    %add3A_199 = arith.addf %add3A_193, %mul3A_198 : vector<16xf32>
    %get3A_200 = arith.constant 480 : index
    %get3A_201 = tpu.vector_load %arg8[%get3A_200] {strides = array<i32>} : memref<1024xf32, #tpu.memory_space<vmem>>, vector<16xf32>,
    %get3A_202 = arith.constant 480 : index
    %get3A_203 = tpu.vector_load %arg9[%get3A_202] {strides = array<i32>} : memref<1024xf32, #tpu.memory_space<vmem>>, vector<16xf32>,
    %mul3A_204 = arith.mulf %get3A_201, %get3A_203 : vector<16xf32>
    %add3A_205 = arith.addf %add3A_199, %mul3A_204 : vector<16xf32>
    %get3A_206 = arith.constant 496 : index
    %get3A_207 = tpu.vector_load %arg8[%get3A_206] {strides = array<i32>} : memref<1024xf32, #tpu.memory_space<vmem>>, vector<16xf32>,
    %get3A_208 = arith.constant 496 : index
    %get3A_209 = tpu.vector_load %arg9[%get3A_208] {strides = array<i32>} : memref<1024xf32, #tpu.memory_space<vmem>>, vector<16xf32>,
    %mul3A_210 = arith.mulf %get3A_207, %get3A_209 : vector<16xf32>
    %add3A_211 = arith.addf %add3A_205, %mul3A_210 : vector<16xf32>
    %get3A_212 = arith.constant 512 : index
    %get3A_213 = tpu.vector_load %arg8[%get3A_212] {strides = array<i32>} : memref<1024xf32, #tpu.memory_space<vmem>>, vector<16xf32>,
    %get3A_214 = arith.constant 512 : index
    %get3A_215 = tpu.vector_load %arg9[%get3A_214] {strides = array<i32>} : memref<1024xf32, #tpu.memory_space<vmem>>, vector<16xf32>,
    %mul3A_216 = arith.mulf %get3A_213, %get3A_215 : vector<16xf32>
    %add3A_217 = arith.addf %add3A_211, %mul3A_216 : vector<16xf32>
    %get3A_218 = arith.constant 528 : index
    %get3A_219 = tpu.vector_load %arg8[%get3A_218] {strides = array<i32>} : memref<1024xf32, #tpu.memory_space<vmem>>, vector<16xf32>,
    %get3A_220 = arith.constant 528 : index
    %get3A_221 = tpu.vector_load %arg9[%get3A_220] {strides = array<i32>} : memref<1024xf32, #tpu.memory_space<vmem>>, vector<16xf32>,
    %mul3A_222 = arith.mulf %get3A_219, %get3A_221 : vector<16xf32>
    %add3A_223 = arith.addf %add3A_217, %mul3A_222 : vector<16xf32>
    %get3A_224 = arith.constant 544 : index
    %get3A_225 = tpu.vector_load %arg8[%get3A_224] {strides = array<i32>} : memref<1024xf32, #tpu.memory_space<vmem>>, vector<16xf32>,
    %get3A_226 = arith.constant 544 : index
    %get3A_227 = tpu.vector_load %arg9[%get3A_226] {strides = array<i32>} : memref<1024xf32, #tpu.memory_space<vmem>>, vector<16xf32>,
    %mul3A_228 = arith.mulf %get3A_225, %get3A_227 : vector<16xf32>
    %add3A_229 = arith.addf %add3A_223, %mul3A_228 : vector<16xf32>
    %get3A_230 = arith.constant 560 : index
    %get3A_231 = tpu.vector_load %arg8[%get3A_230] {strides = array<i32>} : memref<1024xf32, #tpu.memory_space<vmem>>, vector<16xf32>,
    %get3A_232 = arith.constant 560 : index
    %get3A_233 = tpu.vector_load %arg9[%get3A_232] {strides = array<i32>} : memref<1024xf32, #tpu.memory_space<vmem>>, vector<16xf32>,
    %mul3A_234 = arith.mulf %get3A_231, %get3A_233 : vector<16xf32>
    %add3A_235 = arith.addf %add3A_229, %mul3A_234 : vector<16xf32>
    %get3A_236 = arith.constant 576 : index
    %get3A_237 = tpu.vector_load %arg8[%get3A_236] {strides = array<i32>} : memref<1024xf32, #tpu.memory_space<vmem>>, vector<16xf32>,
    %get3A_238 = arith.constant 576 : index
    %get3A_239 = tpu.vector_load %arg9[%get3A_238] {strides = array<i32>} : memref<1024xf32, #tpu.memory_space<vmem>>, vector<16xf32>,
    %mul3A_240 = arith.mulf %get3A_237, %get3A_239 : vector<16xf32>
    %add3A_241 = arith.addf %add3A_235, %mul3A_240 : vector<16xf32>
    %get3A_242 = arith.constant 592 : index
    %get3A_243 = tpu.vector_load %arg8[%get3A_242] {strides = array<i32>} : memref<1024xf32, #tpu.memory_space<vmem>>, vector<16xf32>,
    %get3A_244 = arith.constant 592 : index
    %get3A_245 = tpu.vector_load %arg9[%get3A_244] {strides = array<i32>} : memref<1024xf32, #tpu.memory_space<vmem>>, vector<16xf32>,
    %mul3A_246 = arith.mulf %get3A_243, %get3A_245 : vector<16xf32>
    %add3A_247 = arith.addf %add3A_241, %mul3A_246 : vector<16xf32>
    %get3A_248 = arith.constant 608 : index
    %get3A_249 = tpu.vector_load %arg8[%get3A_248] {strides = array<i32>} : memref<1024xf32, #tpu.memory_space<vmem>>, vector<16xf32>,
    %get3A_250 = arith.constant 608 : index
    %get3A_251 = tpu.vector_load %arg9[%get3A_250] {strides = array<i32>} : memref<1024xf32, #tpu.memory_space<vmem>>, vector<16xf32>,
    %mul3A_252 = arith.mulf %get3A_249, %get3A_251 : vector<16xf32>
    %add3A_253 = arith.addf %add3A_247, %mul3A_252 : vector<16xf32>
    %get3A_254 = arith.constant 624 : index
    %get3A_255 = tpu.vector_load %arg8[%get3A_254] {strides = array<i32>} : memref<1024xf32, #tpu.memory_space<vmem>>, vector<16xf32>,
    %get3A_256 = arith.constant 624 : index
    %get3A_257 = tpu.vector_load %arg9[%get3A_256] {strides = array<i32>} : memref<1024xf32, #tpu.memory_space<vmem>>, vector<16xf32>,
    %mul3A_258 = arith.mulf %get3A_255, %get3A_257 : vector<16xf32>
    %add3A_259 = arith.addf %add3A_253, %mul3A_258 : vector<16xf32>
    %get3A_260 = arith.constant 640 : index
    %get3A_261 = tpu.vector_load %arg8[%get3A_260] {strides = array<i32>} : memref<1024xf32, #tpu.memory_space<vmem>>, vector<16xf32>,
    %get3A_262 = arith.constant 640 : index
    %get3A_263 = tpu.vector_load %arg9[%get3A_262] {strides = array<i32>} : memref<1024xf32, #tpu.memory_space<vmem>>, vector<16xf32>,
    %mul3A_264 = arith.mulf %get3A_261, %get3A_263 : vector<16xf32>
    %add3A_265 = arith.addf %add3A_259, %mul3A_264 : vector<16xf32>
    %get3A_266 = arith.constant 656 : index
    %get3A_267 = tpu.vector_load %arg8[%get3A_266] {strides = array<i32>} : memref<1024xf32, #tpu.memory_space<vmem>>, vector<16xf32>,
    %get3A_268 = arith.constant 656 : index
    %get3A_269 = tpu.vector_load %arg9[%get3A_268] {strides = array<i32>} : memref<1024xf32, #tpu.memory_space<vmem>>, vector<16xf32>,
    %mul3A_270 = arith.mulf %get3A_267, %get3A_269 : vector<16xf32>
    %add3A_271 = arith.addf %add3A_265, %mul3A_270 : vector<16xf32>
    %get3A_272 = arith.constant 672 : index
    %get3A_273 = tpu.vector_load %arg8[%get3A_272] {strides = array<i32>} : memref<1024xf32, #tpu.memory_space<vmem>>, vector<16xf32>,
    %get3A_274 = arith.constant 672 : index
    %get3A_275 = tpu.vector_load %arg9[%get3A_274] {strides = array<i32>} : memref<1024xf32, #tpu.memory_space<vmem>>, vector<16xf32>,
    %mul3A_276 = arith.mulf %get3A_273, %get3A_275 : vector<16xf32>
    %add3A_277 = arith.addf %add3A_271, %mul3A_276 : vector<16xf32>
    %get3A_278 = arith.constant 688 : index
    %get3A_279 = tpu.vector_load %arg8[%get3A_278] {strides = array<i32>} : memref<1024xf32, #tpu.memory_space<vmem>>, vector<16xf32>,
    %get3A_280 = arith.constant 688 : index
    %get3A_281 = tpu.vector_load %arg9[%get3A_280] {strides = array<i32>} : memref<1024xf32, #tpu.memory_space<vmem>>, vector<16xf32>,
    %mul3A_282 = arith.mulf %get3A_279, %get3A_281 : vector<16xf32>
    %add3A_283 = arith.addf %add3A_277, %mul3A_282 : vector<16xf32>
    %get3A_284 = arith.constant 704 : index
    %get3A_285 = tpu.vector_load %arg8[%get3A_284] {strides = array<i32>} : memref<1024xf32, #tpu.memory_space<vmem>>, vector<16xf32>,
    %get3A_286 = arith.constant 704 : index
    %get3A_287 = tpu.vector_load %arg9[%get3A_286] {strides = array<i32>} : memref<1024xf32, #tpu.memory_space<vmem>>, vector<16xf32>,
    %mul3A_288 = arith.mulf %get3A_285, %get3A_287 : vector<16xf32>
    %add3A_289 = arith.addf %add3A_283, %mul3A_288 : vector<16xf32>
    %get3A_290 = arith.constant 720 : index
    %get3A_291 = tpu.vector_load %arg8[%get3A_290] {strides = array<i32>} : memref<1024xf32, #tpu.memory_space<vmem>>, vector<16xf32>,
    %get3A_292 = arith.constant 720 : index
    %get3A_293 = tpu.vector_load %arg9[%get3A_292] {strides = array<i32>} : memref<1024xf32, #tpu.memory_space<vmem>>, vector<16xf32>,
    %mul3A_294 = arith.mulf %get3A_291, %get3A_293 : vector<16xf32>
    %add3A_295 = arith.addf %add3A_289, %mul3A_294 : vector<16xf32>
    %get3A_296 = arith.constant 736 : index
    %get3A_297 = tpu.vector_load %arg8[%get3A_296] {strides = array<i32>} : memref<1024xf32, #tpu.memory_space<vmem>>, vector<16xf32>,
    %get3A_298 = arith.constant 736 : index
    %get3A_299 = tpu.vector_load %arg9[%get3A_298] {strides = array<i32>} : memref<1024xf32, #tpu.memory_space<vmem>>, vector<16xf32>,
    %mul3A_300 = arith.mulf %get3A_297, %get3A_299 : vector<16xf32>
    %add3A_301 = arith.addf %add3A_295, %mul3A_300 : vector<16xf32>
    %get3A_302 = arith.constant 752 : index
    %get3A_303 = tpu.vector_load %arg8[%get3A_302] {strides = array<i32>} : memref<1024xf32, #tpu.memory_space<vmem>>, vector<16xf32>,
    %get3A_304 = arith.constant 752 : index
    %get3A_305 = tpu.vector_load %arg9[%get3A_304] {strides = array<i32>} : memref<1024xf32, #tpu.memory_space<vmem>>, vector<16xf32>,
    %mul3A_306 = arith.mulf %get3A_303, %get3A_305 : vector<16xf32>
    %add3A_307 = arith.addf %add3A_301, %mul3A_306 : vector<16xf32>
    %get3A_308 = arith.constant 768 : index
    %get3A_309 = tpu.vector_load %arg8[%get3A_308] {strides = array<i32>} : memref<1024xf32, #tpu.memory_space<vmem>>, vector<16xf32>,
    %get3A_310 = arith.constant 768 : index
    %get3A_311 = tpu.vector_load %arg9[%get3A_310] {strides = array<i32>} : memref<1024xf32, #tpu.memory_space<vmem>>, vector<16xf32>,
    %mul3A_312 = arith.mulf %get3A_309, %get3A_311 : vector<16xf32>
    %add3A_313 = arith.addf %add3A_307, %mul3A_312 : vector<16xf32>
    %get3A_314 = arith.constant 784 : index
    %get3A_315 = tpu.vector_load %arg8[%get3A_314] {strides = array<i32>} : memref<1024xf32, #tpu.memory_space<vmem>>, vector<16xf32>,
    %get3A_316 = arith.constant 784 : index
    %get3A_317 = tpu.vector_load %arg9[%get3A_316] {strides = array<i32>} : memref<1024xf32, #tpu.memory_space<vmem>>, vector<16xf32>,
    %mul3A_318 = arith.mulf %get3A_315, %get3A_317 : vector<16xf32>
    %add3A_319 = arith.addf %add3A_313, %mul3A_318 : vector<16xf32>
    %get3A_320 = arith.constant 800 : index
    %get3A_321 = tpu.vector_load %arg8[%get3A_320] {strides = array<i32>} : memref<1024xf32, #tpu.memory_space<vmem>>, vector<16xf32>,
    %get3A_322 = arith.constant 800 : index
    %get3A_323 = tpu.vector_load %arg9[%get3A_322] {strides = array<i32>} : memref<1024xf32, #tpu.memory_space<vmem>>, vector<16xf32>,
    %mul3A_324 = arith.mulf %get3A_321, %get3A_323 : vector<16xf32>
    %add3A_325 = arith.addf %add3A_319, %mul3A_324 : vector<16xf32>
    %get3A_326 = arith.constant 816 : index
    %get3A_327 = tpu.vector_load %arg8[%get3A_326] {strides = array<i32>} : memref<1024xf32, #tpu.memory_space<vmem>>, vector<16xf32>,
    %get3A_328 = arith.constant 816 : index
    %get3A_329 = tpu.vector_load %arg9[%get3A_328] {strides = array<i32>} : memref<1024xf32, #tpu.memory_space<vmem>>, vector<16xf32>,
    %mul3A_330 = arith.mulf %get3A_327, %get3A_329 : vector<16xf32>
    %add3A_331 = arith.addf %add3A_325, %mul3A_330 : vector<16xf32>
    %get3A_332 = arith.constant 832 : index
    %get3A_333 = tpu.vector_load %arg8[%get3A_332] {strides = array<i32>} : memref<1024xf32, #tpu.memory_space<vmem>>, vector<16xf32>,
    %get3A_334 = arith.constant 832 : index
    %get3A_335 = tpu.vector_load %arg9[%get3A_334] {strides = array<i32>} : memref<1024xf32, #tpu.memory_space<vmem>>, vector<16xf32>,
    %mul3A_336 = arith.mulf %get3A_333, %get3A_335 : vector<16xf32>
    %add3A_337 = arith.addf %add3A_331, %mul3A_336 : vector<16xf32>
    %get3A_338 = arith.constant 848 : index
    %get3A_339 = tpu.vector_load %arg8[%get3A_338] {strides = array<i32>} : memref<1024xf32, #tpu.memory_space<vmem>>, vector<16xf32>,
    %get3A_340 = arith.constant 848 : index
    %get3A_341 = tpu.vector_load %arg9[%get3A_340] {strides = array<i32>} : memref<1024xf32, #tpu.memory_space<vmem>>, vector<16xf32>,
    %mul3A_342 = arith.mulf %get3A_339, %get3A_341 : vector<16xf32>
    %add3A_343 = arith.addf %add3A_337, %mul3A_342 : vector<16xf32>
    %get3A_344 = arith.constant 864 : index
    %get3A_345 = tpu.vector_load %arg8[%get3A_344] {strides = array<i32>} : memref<1024xf32, #tpu.memory_space<vmem>>, vector<16xf32>,
    %get3A_346 = arith.constant 864 : index
    %get3A_347 = tpu.vector_load %arg9[%get3A_346] {strides = array<i32>} : memref<1024xf32, #tpu.memory_space<vmem>>, vector<16xf32>,
    %mul3A_348 = arith.mulf %get3A_345, %get3A_347 : vector<16xf32>
    %add3A_349 = arith.addf %add3A_343, %mul3A_348 : vector<16xf32>
    %get3A_350 = arith.constant 880 : index
    %get3A_351 = tpu.vector_load %arg8[%get3A_350] {strides = array<i32>} : memref<1024xf32, #tpu.memory_space<vmem>>, vector<16xf32>,
    %get3A_352 = arith.constant 880 : index
    %get3A_353 = tpu.vector_load %arg9[%get3A_352] {strides = array<i32>} : memref<1024xf32, #tpu.memory_space<vmem>>, vector<16xf32>,
    %mul3A_354 = arith.mulf %get3A_351, %get3A_353 : vector<16xf32>
    %add3A_355 = arith.addf %add3A_349, %mul3A_354 : vector<16xf32>
    %get3A_356 = arith.constant 896 : index
    %get3A_357 = tpu.vector_load %arg8[%get3A_356] {strides = array<i32>} : memref<1024xf32, #tpu.memory_space<vmem>>, vector<16xf32>,
    %get3A_358 = arith.constant 896 : index
    %get3A_359 = tpu.vector_load %arg9[%get3A_358] {strides = array<i32>} : memref<1024xf32, #tpu.memory_space<vmem>>, vector<16xf32>,
    %mul3A_360 = arith.mulf %get3A_357, %get3A_359 : vector<16xf32>
    %add3A_361 = arith.addf %add3A_355, %mul3A_360 : vector<16xf32>
    %get3A_362 = arith.constant 912 : index
    %get3A_363 = tpu.vector_load %arg8[%get3A_362] {strides = array<i32>} : memref<1024xf32, #tpu.memory_space<vmem>>, vector<16xf32>,
    %get3A_364 = arith.constant 912 : index
    %get3A_365 = tpu.vector_load %arg9[%get3A_364] {strides = array<i32>} : memref<1024xf32, #tpu.memory_space<vmem>>, vector<16xf32>,
    %mul3A_366 = arith.mulf %get3A_363, %get3A_365 : vector<16xf32>
    %add3A_367 = arith.addf %add3A_361, %mul3A_366 : vector<16xf32>
    %get3A_368 = arith.constant 928 : index
    %get3A_369 = tpu.vector_load %arg8[%get3A_368] {strides = array<i32>} : memref<1024xf32, #tpu.memory_space<vmem>>, vector<16xf32>,
    %get3A_370 = arith.constant 928 : index
    %get3A_371 = tpu.vector_load %arg9[%get3A_370] {strides = array<i32>} : memref<1024xf32, #tpu.memory_space<vmem>>, vector<16xf32>,
    %mul3A_372 = arith.mulf %get3A_369, %get3A_371 : vector<16xf32>
    %add3A_373 = arith.addf %add3A_367, %mul3A_372 : vector<16xf32>
    %get3A_374 = arith.constant 944 : index
    %get3A_375 = tpu.vector_load %arg8[%get3A_374] {strides = array<i32>} : memref<1024xf32, #tpu.memory_space<vmem>>, vector<16xf32>,
    %get3A_376 = arith.constant 944 : index
    %get3A_377 = tpu.vector_load %arg9[%get3A_376] {strides = array<i32>} : memref<1024xf32, #tpu.memory_space<vmem>>, vector<16xf32>,
    %mul3A_378 = arith.mulf %get3A_375, %get3A_377 : vector<16xf32>
    %add3A_379 = arith.addf %add3A_373, %mul3A_378 : vector<16xf32>
    %get3A_380 = arith.constant 960 : index
    %get3A_381 = tpu.vector_load %arg8[%get3A_380] {strides = array<i32>} : memref<1024xf32, #tpu.memory_space<vmem>>, vector<16xf32>,
    %get3A_382 = arith.constant 960 : index
    %get3A_383 = tpu.vector_load %arg9[%get3A_382] {strides = array<i32>} : memref<1024xf32, #tpu.memory_space<vmem>>, vector<16xf32>,
    %mul3A_384 = arith.mulf %get3A_381, %get3A_383 : vector<16xf32>
    %add3A_385 = arith.addf %add3A_379, %mul3A_384 : vector<16xf32>
    %get3A_386 = arith.constant 976 : index
    %get3A_387 = tpu.vector_load %arg8[%get3A_386] {strides = array<i32>} : memref<1024xf32, #tpu.memory_space<vmem>>, vector<16xf32>,
    %get3A_388 = arith.constant 976 : index
    %get3A_389 = tpu.vector_load %arg9[%get3A_388] {strides = array<i32>} : memref<1024xf32, #tpu.memory_space<vmem>>, vector<16xf32>,
    %mul3A_390 = arith.mulf %get3A_387, %get3A_389 : vector<16xf32>
    %add3A_391 = arith.addf %add3A_385, %mul3A_390 : vector<16xf32>
    %get3A_392 = arith.constant 992 : index
    %get3A_393 = tpu.vector_load %arg8[%get3A_392] {strides = array<i32>} : memref<1024xf32, #tpu.memory_space<vmem>>, vector<16xf32>,
    %get3A_394 = arith.constant 992 : index
    %get3A_395 = tpu.vector_load %arg9[%get3A_394] {strides = array<i32>} : memref<1024xf32, #tpu.memory_space<vmem>>, vector<16xf32>,
    %mul3A_396 = arith.mulf %get3A_393, %get3A_395 : vector<16xf32>
    %add3A_397 = arith.addf %add3A_391, %mul3A_396 : vector<16xf32>
    %get3A_398 = arith.constant 1008 : index
    %get3A_399 = tpu.vector_load %arg8[%get3A_398] {strides = array<i32>} : memref<1024xf32, #tpu.memory_space<vmem>>, vector<16xf32>,
    %get3A_400 = arith.constant 1008 : index
    %get3A_401 = tpu.vector_load %arg9[%get3A_400] {strides = array<i32>} : memref<1024xf32, #tpu.memory_space<vmem>>, vector<16xf32>,
    %mul3A_402 = arith.mulf %get3A_399, %get3A_401 : vector<16xf32>
    %add3A_403 = arith.addf %add3A_397, %mul3A_402 : vector<16xf32>
    %reduce_sum3A = arith.constant true
    %reduce_sum3A_404 = vector.broadcast %reduce_sum3A : i1 to vector<16xi1>
    %reduce_sum3A_405 = tpu.scan <sum>, %add3A_403 masked %reduce_sum3A_404 : vector<16xf32>, vector<16xi1> -> vector<16xf32>
    %reduce_sum3A_406 = vector.extract %reduce_sum3A_405[15] : f32 from vector<16xf32>
    %iota3A = tpu.iota {dimensions = array<i32: 0>} : vector<16xi32>
    %convert_element_type3A = arith.sitofp %iota3A : vector<16xi32> to vector<16xf32>
    %convert_element_type3A_407 = arith.sitofp %arg1 : i32 to f32
    %eq3A = vector.broadcast %convert_element_type3A_407 : f32 to vector<16xf32>
    %eq3A_408 = arith.cmpf oeq, %convert_element_type3A, %eq3A : vector<16xf32>
    %convert_element_type3A_409 = arith.extui %eq3A_408 : vector<16xi1> to vector<16xi32>
    %convert_element_type3A_410 = arith.sitofp %convert_element_type3A_409 : vector<16xi32> to vector<16xf32>
    %get3A_411 = arith.constant 0 : index
    %get3A_412 = tpu.vector_load %arg13[%get3A_411] {strides = array<i32>} : memref<16xi32, #tpu.memory_space<vmem>>, vector<16xi32>,
    %convert_element_type3A_413 = arith.sitofp %get3A_412 : vector<16xi32> to vector<16xf32>
    %mul3A_414 = arith.mulf %convert_element_type3A_413, %convert_element_type3A_410 : vector<16xf32>
    %reduce_sum3A_415 = arith.constant true
    %reduce_sum3A_416 = vector.broadcast %reduce_sum3A_415 : i1 to vector<16xi1>
    %reduce_sum3A_417 = tpu.scan <sum>, %mul3A_414 masked %reduce_sum3A_416 : vector<16xf32>, vector<16xi1> -> vector<16xf32>
    %reduce_sum3A_418 = vector.extract %reduce_sum3A_417[15] : f32 from vector<16xf32>
    %eq3A_419 = arith.constant 1.000000e+01 : f32
    %eq3A_420 = vector.broadcast %eq3A_419 : f32 to vector<16xf32>
    %eq3A_421 = arith.cmpf oeq, %convert_element_type3A, %eq3A_420 : vector<16xf32>
    %jit3A = arith.constant 0.000000e+00 : f32
    %broadcast_in_dim3A_422 = vector.broadcast %reduce_sum3A_406 : f32 to vector<16xf32>
    %broadcast_in_dim3A_423 = vector.broadcast %jit3A : f32 to vector<16xf32>
    %select_n3A = arith.select %eq3A_421, %broadcast_in_dim3A_422, %broadcast_in_dim3A_423 : vector<16xi1>, vector<16xf32>
    %sub3A = arith.constant 1.100000e+01 : f32
    %sub3A_424 = arith.subf %sub3A, %reduce_sum3A_418 : f32
    %ge3A = vector.broadcast %sub3A_424 : f32 to vector<16xf32>
    %ge3A_425 = arith.cmpf oge, %convert_element_type3A, %ge3A : vector<16xf32>
    %le3A = arith.constant 1.000000e+01 : f32
    %le3A_426 = vector.broadcast %le3A : f32 to vector<16xf32>
    %le3A_427 = arith.cmpf ole, %convert_element_type3A, %le3A_426 : vector<16xf32>
    %and3A = arith.andi %ge3A_425, %le3A_427 : vector<16xi1>
    %exp3A = math.exp %select_n3A : vector<16xf32>
    %convert_element_type3A_428 = arith.extui %and3A : vector<16xi1> to vector<16xi32>
    %convert_element_type3A_429 = arith.sitofp %convert_element_type3A_428 : vector<16xi32> to vector<16xf32>
    %mul3A_430 = arith.mulf %exp3A, %convert_element_type3A_429 : vector<16xf32>
    %reduce_sum3A_431 = arith.constant true
    %reduce_sum3A_432 = vector.broadcast %reduce_sum3A_431 : i1 to vector<16xi1>
    %reduce_sum3A_433 = tpu.scan <sum>, %mul3A_430 masked %reduce_sum3A_432 : vector<16xf32>, vector<16xi1> -> vector<16xf32>
    %reduce_sum3A_434 = vector.extract %reduce_sum3A_433[15] : f32 from vector<16xf32>
    %div3A = vector.broadcast %reduce_sum3A_434 : f32 to vector<16xf32>
    %div3A_435 = arith.divf %mul3A_430, %div3A : vector<16xf32>
    %swap3A = arith.constant 0 : index
    %swap3A_436 = tpu.vector_load %arg12[%swap3A] {strides = array<i32>} : memref<16xf32, #tpu.memory_space<vmem>>, vector<16xf32>,
    tpu.vector_store %arg12[%swap3A], %div3A_435 {strides = array<i32>} : memref<16xf32, #tpu.memory_space<vmem>>, vector<16xf32>,
    %eq3A_437 = arith.constant 1.000000e+01 : f32
    %eq3A_438 = vector.broadcast %eq3A_437 : f32 to vector<16xf32>
    %eq3A_439 = arith.cmpf oeq, %convert_element_type3A, %eq3A_438 : vector<16xf32>
    %jit3A_440 = arith.constant 1.000000e+00 : f32
    %jit3A_441 = arith.constant 0.000000e+00 : f32
    %broadcast_in_dim3A_442 = vector.broadcast %jit3A_440 : f32 to vector<16xf32>
    %broadcast_in_dim3A_443 = vector.broadcast %jit3A_441 : f32 to vector<16xf32>
    %select_n3A_444 = arith.select %eq3A_439, %broadcast_in_dim3A_442, %broadcast_in_dim3A_443 : vector<16xi1>, vector<16xf32>
    %mul3A_445 = arith.mulf %div3A_435, %select_n3A_444 : vector<16xf32>
    %reduce_sum3A_446 = arith.constant true
    %reduce_sum3A_447 = vector.broadcast %reduce_sum3A_446 : i1 to vector<16xi1>
    %reduce_sum3A_448 = tpu.scan <sum>, %mul3A_445 masked %reduce_sum3A_447 : vector<16xf32>, vector<16xi1> -> vector<16xf32>
    %reduce_sum3A_449 = vector.extract %reduce_sum3A_448[15] : f32 from vector<16xf32>
    %get3A_450 = arith.constant 0 : index
    %get3A_451 = tpu.vector_load %arg10[%get3A_450] {strides = array<i32>} : memref<1024xf32, #tpu.memory_space<vmem>>, vector<16xf32>,
    %mul3A_452 = vector.broadcast %reduce_sum3A_449 : f32 to vector<16xf32>
    %mul3A_453 = arith.mulf %get3A_451, %mul3A_452 : vector<16xf32>
    %swap3A_454 = arith.constant 0 : index
    %swap3A_455 = tpu.vector_load %arg11[%swap3A_454] {strides = array<i32>} : memref<1024xf32, #tpu.memory_space<vmem>>, vector<16xf32>,
    tpu.vector_store %arg11[%swap3A_454], %mul3A_453 {strides = array<i32>} : memref<1024xf32, #tpu.memory_space<vmem>>, vector<16xf32>,
    %get3A_456 = arith.constant 16 : index
    %get3A_457 = tpu.vector_load %arg10[%get3A_456] {strides = array<i32>} : memref<1024xf32, #tpu.memory_space<vmem>>, vector<16xf32>,
    %mul3A_458 = vector.broadcast %reduce_sum3A_449 : f32 to vector<16xf32>
    %mul3A_459 = arith.mulf %get3A_457, %mul3A_458 : vector<16xf32>
    %swap3A_460 = arith.constant 16 : index
    %swap3A_461 = tpu.vector_load %arg11[%swap3A_460] {strides = array<i32>} : memref<1024xf32, #tpu.memory_space<vmem>>, vector<16xf32>,
    tpu.vector_store %arg11[%swap3A_460], %mul3A_459 {strides = array<i32>} : memref<1024xf32, #tpu.memory_space<vmem>>, vector<16xf32>,
    %get3A_462 = arith.constant 32 : index
    %get3A_463 = tpu.vector_load %arg10[%get3A_462] {strides = array<i32>} : memref<1024xf32, #tpu.memory_space<vmem>>, vector<16xf32>,
    %mul3A_464 = vector.broadcast %reduce_sum3A_449 : f32 to vector<16xf32>
    %mul3A_465 = arith.mulf %get3A_463, %mul3A_464 : vector<16xf32>
    %swap3A_466 = arith.constant 32 : index
    %swap3A_467 = tpu.vector_load %arg11[%swap3A_466] {strides = array<i32>} : memref<1024xf32, #tpu.memory_space<vmem>>, vector<16xf32>,
    tpu.vector_store %arg11[%swap3A_466], %mul3A_465 {strides = array<i32>} : memref<1024xf32, #tpu.memory_space<vmem>>, vector<16xf32>,
    %get3A_468 = arith.constant 48 : index
    %get3A_469 = tpu.vector_load %arg10[%get3A_468] {strides = array<i32>} : memref<1024xf32, #tpu.memory_space<vmem>>, vector<16xf32>,
    %mul3A_470 = vector.broadcast %reduce_sum3A_449 : f32 to vector<16xf32>
    %mul3A_471 = arith.mulf %get3A_469, %mul3A_470 : vector<16xf32>
    %swap3A_472 = arith.constant 48 : index
    %swap3A_473 = tpu.vector_load %arg11[%swap3A_472] {strides = array<i32>} : memref<1024xf32, #tpu.memory_space<vmem>>, vector<16xf32>,
    tpu.vector_store %arg11[%swap3A_472], %mul3A_471 {strides = array<i32>} : memref<1024xf32, #tpu.memory_space<vmem>>, vector<16xf32>,
    %get3A_474 = arith.constant 64 : index
    %get3A_475 = tpu.vector_load %arg10[%get3A_474] {strides = array<i32>} : memref<1024xf32, #tpu.memory_space<vmem>>, vector<16xf32>,
    %mul3A_476 = vector.broadcast %reduce_sum3A_449 : f32 to vector<16xf32>
    %mul3A_477 = arith.mulf %get3A_475, %mul3A_476 : vector<16xf32>
    %swap3A_478 = arith.constant 64 : index
    %swap3A_479 = tpu.vector_load %arg11[%swap3A_478] {strides = array<i32>} : memref<1024xf32, #tpu.memory_space<vmem>>, vector<16xf32>,
    tpu.vector_store %arg11[%swap3A_478], %mul3A_477 {strides = array<i32>} : memref<1024xf32, #tpu.memory_space<vmem>>, vector<16xf32>,
    %get3A_480 = arith.constant 80 : index
    %get3A_481 = tpu.vector_load %arg10[%get3A_480] {strides = array<i32>} : memref<1024xf32, #tpu.memory_space<vmem>>, vector<16xf32>,
    %mul3A_482 = vector.broadcast %reduce_sum3A_449 : f32 to vector<16xf32>
    %mul3A_483 = arith.mulf %get3A_481, %mul3A_482 : vector<16xf32>
    %swap3A_484 = arith.constant 80 : index
    %swap3A_485 = tpu.vector_load %arg11[%swap3A_484] {strides = array<i32>} : memref<1024xf32, #tpu.memory_space<vmem>>, vector<16xf32>,
    tpu.vector_store %arg11[%swap3A_484], %mul3A_483 {strides = array<i32>} : memref<1024xf32, #tpu.memory_space<vmem>>, vector<16xf32>,
    %get3A_486 = arith.constant 96 : index
    %get3A_487 = tpu.vector_load %arg10[%get3A_486] {strides = array<i32>} : memref<1024xf32, #tpu.memory_space<vmem>>, vector<16xf32>,
    %mul3A_488 = vector.broadcast %reduce_sum3A_449 : f32 to vector<16xf32>
    %mul3A_489 = arith.mulf %get3A_487, %mul3A_488 : vector<16xf32>
    %swap3A_490 = arith.constant 96 : index
    %swap3A_491 = tpu.vector_load %arg11[%swap3A_490] {strides = array<i32>} : memref<1024xf32, #tpu.memory_space<vmem>>, vector<16xf32>,
    tpu.vector_store %arg11[%swap3A_490], %mul3A_489 {strides = array<i32>} : memref<1024xf32, #tpu.memory_space<vmem>>, vector<16xf32>,
    %get3A_492 = arith.constant 112 : index
    %get3A_493 = tpu.vector_load %arg10[%get3A_492] {strides = array<i32>} : memref<1024xf32, #tpu.memory_space<vmem>>, vector<16xf32>,
    %mul3A_494 = vector.broadcast %reduce_sum3A_449 : f32 to vector<16xf32>
    %mul3A_495 = arith.mulf %get3A_493, %mul3A_494 : vector<16xf32>
    %swap3A_496 = arith.constant 112 : index
    %swap3A_497 = tpu.vector_load %arg11[%swap3A_496] {strides = array<i32>} : memref<1024xf32, #tpu.memory_space<vmem>>, vector<16xf32>,
    tpu.vector_store %arg11[%swap3A_496], %mul3A_495 {strides = array<i32>} : memref<1024xf32, #tpu.memory_space<vmem>>, vector<16xf32>,
    %get3A_498 = arith.constant 128 : index
    %get3A_499 = tpu.vector_load %arg10[%get3A_498] {strides = array<i32>} : memref<1024xf32, #tpu.memory_space<vmem>>, vector<16xf32>,
    %mul3A_500 = vector.broadcast %reduce_sum3A_449 : f32 to vector<16xf32>
    %mul3A_501 = arith.mulf %get3A_499, %mul3A_500 : vector<16xf32>
    %swap3A_502 = arith.constant 128 : index
    %swap3A_503 = tpu.vector_load %arg11[%swap3A_502] {strides = array<i32>} : memref<1024xf32, #tpu.memory_space<vmem>>, vector<16xf32>,
    tpu.vector_store %arg11[%swap3A_502], %mul3A_501 {strides = array<i32>} : memref<1024xf32, #tpu.memory_space<vmem>>, vector<16xf32>,
    %get3A_504 = arith.constant 144 : index
    %get3A_505 = tpu.vector_load %arg10[%get3A_504] {strides = array<i32>} : memref<1024xf32, #tpu.memory_space<vmem>>, vector<16xf32>,
    %mul3A_506 = vector.broadcast %reduce_sum3A_449 : f32 to vector<16xf32>
    %mul3A_507 = arith.mulf %get3A_505, %mul3A_506 : vector<16xf32>
    %swap3A_508 = arith.constant 144 : index
    %swap3A_509 = tpu.vector_load %arg11[%swap3A_508] {strides = array<i32>} : memref<1024xf32, #tpu.memory_space<vmem>>, vector<16xf32>,
    tpu.vector_store %arg11[%swap3A_508], %mul3A_507 {strides = array<i32>} : memref<1024xf32, #tpu.memory_space<vmem>>, vector<16xf32>,
    %get3A_510 = arith.constant 160 : index
    %get3A_511 = tpu.vector_load %arg10[%get3A_510] {strides = array<i32>} : memref<1024xf32, #tpu.memory_space<vmem>>, vector<16xf32>,
    %mul3A_512 = vector.broadcast %reduce_sum3A_449 : f32 to vector<16xf32>
    %mul3A_513 = arith.mulf %get3A_511, %mul3A_512 : vector<16xf32>
    %swap3A_514 = arith.constant 160 : index
    %swap3A_515 = tpu.vector_load %arg11[%swap3A_514] {strides = array<i32>} : memref<1024xf32, #tpu.memory_space<vmem>>, vector<16xf32>,
    tpu.vector_store %arg11[%swap3A_514], %mul3A_513 {strides = array<i32>} : memref<1024xf32, #tpu.memory_space<vmem>>, vector<16xf32>,
    %get3A_516 = arith.constant 176 : index
    %get3A_517 = tpu.vector_load %arg10[%get3A_516] {strides = array<i32>} : memref<1024xf32, #tpu.memory_space<vmem>>, vector<16xf32>,
    %mul3A_518 = vector.broadcast %reduce_sum3A_449 : f32 to vector<16xf32>
    %mul3A_519 = arith.mulf %get3A_517, %mul3A_518 : vector<16xf32>
    %swap3A_520 = arith.constant 176 : index
    %swap3A_521 = tpu.vector_load %arg11[%swap3A_520] {strides = array<i32>} : memref<1024xf32, #tpu.memory_space<vmem>>, vector<16xf32>,
    tpu.vector_store %arg11[%swap3A_520], %mul3A_519 {strides = array<i32>} : memref<1024xf32, #tpu.memory_space<vmem>>, vector<16xf32>,
    %get3A_522 = arith.constant 192 : index
    %get3A_523 = tpu.vector_load %arg10[%get3A_522] {strides = array<i32>} : memref<1024xf32, #tpu.memory_space<vmem>>, vector<16xf32>,
    %mul3A_524 = vector.broadcast %reduce_sum3A_449 : f32 to vector<16xf32>
    %mul3A_525 = arith.mulf %get3A_523, %mul3A_524 : vector<16xf32>
    %swap3A_526 = arith.constant 192 : index
    %swap3A_527 = tpu.vector_load %arg11[%swap3A_526] {strides = array<i32>} : memref<1024xf32, #tpu.memory_space<vmem>>, vector<16xf32>,
    tpu.vector_store %arg11[%swap3A_526], %mul3A_525 {strides = array<i32>} : memref<1024xf32, #tpu.memory_space<vmem>>, vector<16xf32>,
    %get3A_528 = arith.constant 208 : index
    %get3A_529 = tpu.vector_load %arg10[%get3A_528] {strides = array<i32>} : memref<1024xf32, #tpu.memory_space<vmem>>, vector<16xf32>,
    %mul3A_530 = vector.broadcast %reduce_sum3A_449 : f32 to vector<16xf32>
    %mul3A_531 = arith.mulf %get3A_529, %mul3A_530 : vector<16xf32>
    %swap3A_532 = arith.constant 208 : index
    %swap3A_533 = tpu.vector_load %arg11[%swap3A_532] {strides = array<i32>} : memref<1024xf32, #tpu.memory_space<vmem>>, vector<16xf32>,
    tpu.vector_store %arg11[%swap3A_532], %mul3A_531 {strides = array<i32>} : memref<1024xf32, #tpu.memory_space<vmem>>, vector<16xf32>,
    %get3A_534 = arith.constant 224 : index
    %get3A_535 = tpu.vector_load %arg10[%get3A_534] {strides = array<i32>} : memref<1024xf32, #tpu.memory_space<vmem>>, vector<16xf32>,
    %mul3A_536 = vector.broadcast %reduce_sum3A_449 : f32 to vector<16xf32>
    %mul3A_537 = arith.mulf %get3A_535, %mul3A_536 : vector<16xf32>
    %swap3A_538 = arith.constant 224 : index
    %swap3A_539 = tpu.vector_load %arg11[%swap3A_538] {strides = array<i32>} : memref<1024xf32, #tpu.memory_space<vmem>>, vector<16xf32>,
    tpu.vector_store %arg11[%swap3A_538], %mul3A_537 {strides = array<i32>} : memref<1024xf32, #tpu.memory_space<vmem>>, vector<16xf32>,
    %get3A_540 = arith.constant 240 : index
    %get3A_541 = tpu.vector_load %arg10[%get3A_540] {strides = array<i32>} : memref<1024xf32, #tpu.memory_space<vmem>>, vector<16xf32>,
    %mul3A_542 = vector.broadcast %reduce_sum3A_449 : f32 to vector<16xf32>
    %mul3A_543 = arith.mulf %get3A_541, %mul3A_542 : vector<16xf32>
    %swap3A_544 = arith.constant 240 : index
    %swap3A_545 = tpu.vector_load %arg11[%swap3A_544] {strides = array<i32>} : memref<1024xf32, #tpu.memory_space<vmem>>, vector<16xf32>,
    tpu.vector_store %arg11[%swap3A_544], %mul3A_543 {strides = array<i32>} : memref<1024xf32, #tpu.memory_space<vmem>>, vector<16xf32>,
    %get3A_546 = arith.constant 256 : index
    %get3A_547 = tpu.vector_load %arg10[%get3A_546] {strides = array<i32>} : memref<1024xf32, #tpu.memory_space<vmem>>, vector<16xf32>,
    %mul3A_548 = vector.broadcast %reduce_sum3A_449 : f32 to vector<16xf32>
    %mul3A_549 = arith.mulf %get3A_547, %mul3A_548 : vector<16xf32>
    %swap3A_550 = arith.constant 256 : index
    %swap3A_551 = tpu.vector_load %arg11[%swap3A_550] {strides = array<i32>} : memref<1024xf32, #tpu.memory_space<vmem>>, vector<16xf32>,
    tpu.vector_store %arg11[%swap3A_550], %mul3A_549 {strides = array<i32>} : memref<1024xf32, #tpu.memory_space<vmem>>, vector<16xf32>,
    %get3A_552 = arith.constant 272 : index
    %get3A_553 = tpu.vector_load %arg10[%get3A_552] {strides = array<i32>} : memref<1024xf32, #tpu.memory_space<vmem>>, vector<16xf32>,
    %mul3A_554 = vector.broadcast %reduce_sum3A_449 : f32 to vector<16xf32>
    %mul3A_555 = arith.mulf %get3A_553, %mul3A_554 : vector<16xf32>
    %swap3A_556 = arith.constant 272 : index
    %swap3A_557 = tpu.vector_load %arg11[%swap3A_556] {strides = array<i32>} : memref<1024xf32, #tpu.memory_space<vmem>>, vector<16xf32>,
    tpu.vector_store %arg11[%swap3A_556], %mul3A_555 {strides = array<i32>} : memref<1024xf32, #tpu.memory_space<vmem>>, vector<16xf32>,
    %get3A_558 = arith.constant 288 : index
    %get3A_559 = tpu.vector_load %arg10[%get3A_558] {strides = array<i32>} : memref<1024xf32, #tpu.memory_space<vmem>>, vector<16xf32>,
    %mul3A_560 = vector.broadcast %reduce_sum3A_449 : f32 to vector<16xf32>
    %mul3A_561 = arith.mulf %get3A_559, %mul3A_560 : vector<16xf32>
    %swap3A_562 = arith.constant 288 : index
    %swap3A_563 = tpu.vector_load %arg11[%swap3A_562] {strides = array<i32>} : memref<1024xf32, #tpu.memory_space<vmem>>, vector<16xf32>,
    tpu.vector_store %arg11[%swap3A_562], %mul3A_561 {strides = array<i32>} : memref<1024xf32, #tpu.memory_space<vmem>>, vector<16xf32>,
    %get3A_564 = arith.constant 304 : index
    %get3A_565 = tpu.vector_load %arg10[%get3A_564] {strides = array<i32>} : memref<1024xf32, #tpu.memory_space<vmem>>, vector<16xf32>,
    %mul3A_566 = vector.broadcast %reduce_sum3A_449 : f32 to vector<16xf32>
    %mul3A_567 = arith.mulf %get3A_565, %mul3A_566 : vector<16xf32>
    %swap3A_568 = arith.constant 304 : index
    %swap3A_569 = tpu.vector_load %arg11[%swap3A_568] {strides = array<i32>} : memref<1024xf32, #tpu.memory_space<vmem>>, vector<16xf32>,
    tpu.vector_store %arg11[%swap3A_568], %mul3A_567 {strides = array<i32>} : memref<1024xf32, #tpu.memory_space<vmem>>, vector<16xf32>,
    %get3A_570 = arith.constant 320 : index
    %get3A_571 = tpu.vector_load %arg10[%get3A_570] {strides = array<i32>} : memref<1024xf32, #tpu.memory_space<vmem>>, vector<16xf32>,
    %mul3A_572 = vector.broadcast %reduce_sum3A_449 : f32 to vector<16xf32>
    %mul3A_573 = arith.mulf %get3A_571, %mul3A_572 : vector<16xf32>
    %swap3A_574 = arith.constant 320 : index
    %swap3A_575 = tpu.vector_load %arg11[%swap3A_574] {strides = array<i32>} : memref<1024xf32, #tpu.memory_space<vmem>>, vector<16xf32>,
    tpu.vector_store %arg11[%swap3A_574], %mul3A_573 {strides = array<i32>} : memref<1024xf32, #tpu.memory_space<vmem>>, vector<16xf32>,
    %get3A_576 = arith.constant 336 : index
    %get3A_577 = tpu.vector_load %arg10[%get3A_576] {strides = array<i32>} : memref<1024xf32, #tpu.memory_space<vmem>>, vector<16xf32>,
    %mul3A_578 = vector.broadcast %reduce_sum3A_449 : f32 to vector<16xf32>
    %mul3A_579 = arith.mulf %get3A_577, %mul3A_578 : vector<16xf32>
    %swap3A_580 = arith.constant 336 : index
    %swap3A_581 = tpu.vector_load %arg11[%swap3A_580] {strides = array<i32>} : memref<1024xf32, #tpu.memory_space<vmem>>, vector<16xf32>,
    tpu.vector_store %arg11[%swap3A_580], %mul3A_579 {strides = array<i32>} : memref<1024xf32, #tpu.memory_space<vmem>>, vector<16xf32>,
    %get3A_582 = arith.constant 352 : index
    %get3A_583 = tpu.vector_load %arg10[%get3A_582] {strides = array<i32>} : memref<1024xf32, #tpu.memory_space<vmem>>, vector<16xf32>,
    %mul3A_584 = vector.broadcast %reduce_sum3A_449 : f32 to vector<16xf32>
    %mul3A_585 = arith.mulf %get3A_583, %mul3A_584 : vector<16xf32>
    %swap3A_586 = arith.constant 352 : index
    %swap3A_587 = tpu.vector_load %arg11[%swap3A_586] {strides = array<i32>} : memref<1024xf32, #tpu.memory_space<vmem>>, vector<16xf32>,
    tpu.vector_store %arg11[%swap3A_586], %mul3A_585 {strides = array<i32>} : memref<1024xf32, #tpu.memory_space<vmem>>, vector<16xf32>,
    %get3A_588 = arith.constant 368 : index
    %get3A_589 = tpu.vector_load %arg10[%get3A_588] {strides = array<i32>} : memref<1024xf32, #tpu.memory_space<vmem>>, vector<16xf32>,
    %mul3A_590 = vector.broadcast %reduce_sum3A_449 : f32 to vector<16xf32>
    %mul3A_591 = arith.mulf %get3A_589, %mul3A_590 : vector<16xf32>
    %swap3A_592 = arith.constant 368 : index
    %swap3A_593 = tpu.vector_load %arg11[%swap3A_592] {strides = array<i32>} : memref<1024xf32, #tpu.memory_space<vmem>>, vector<16xf32>,
    tpu.vector_store %arg11[%swap3A_592], %mul3A_591 {strides = array<i32>} : memref<1024xf32, #tpu.memory_space<vmem>>, vector<16xf32>,
    %get3A_594 = arith.constant 384 : index
    %get3A_595 = tpu.vector_load %arg10[%get3A_594] {strides = array<i32>} : memref<1024xf32, #tpu.memory_space<vmem>>, vector<16xf32>,
    %mul3A_596 = vector.broadcast %reduce_sum3A_449 : f32 to vector<16xf32>
    %mul3A_597 = arith.mulf %get3A_595, %mul3A_596 : vector<16xf32>
    %swap3A_598 = arith.constant 384 : index
    %swap3A_599 = tpu.vector_load %arg11[%swap3A_598] {strides = array<i32>} : memref<1024xf32, #tpu.memory_space<vmem>>, vector<16xf32>,
    tpu.vector_store %arg11[%swap3A_598], %mul3A_597 {strides = array<i32>} : memref<1024xf32, #tpu.memory_space<vmem>>, vector<16xf32>,
    %get3A_600 = arith.constant 400 : index
    %get3A_601 = tpu.vector_load %arg10[%get3A_600] {strides = array<i32>} : memref<1024xf32, #tpu.memory_space<vmem>>, vector<16xf32>,
    %mul3A_602 = vector.broadcast %reduce_sum3A_449 : f32 to vector<16xf32>
    %mul3A_603 = arith.mulf %get3A_601, %mul3A_602 : vector<16xf32>
    %swap3A_604 = arith.constant 400 : index
    %swap3A_605 = tpu.vector_load %arg11[%swap3A_604] {strides = array<i32>} : memref<1024xf32, #tpu.memory_space<vmem>>, vector<16xf32>,
    tpu.vector_store %arg11[%swap3A_604], %mul3A_603 {strides = array<i32>} : memref<1024xf32, #tpu.memory_space<vmem>>, vector<16xf32>,
    %get3A_606 = arith.constant 416 : index
    %get3A_607 = tpu.vector_load %arg10[%get3A_606] {strides = array<i32>} : memref<1024xf32, #tpu.memory_space<vmem>>, vector<16xf32>,
    %mul3A_608 = vector.broadcast %reduce_sum3A_449 : f32 to vector<16xf32>
    %mul3A_609 = arith.mulf %get3A_607, %mul3A_608 : vector<16xf32>
    %swap3A_610 = arith.constant 416 : index
    %swap3A_611 = tpu.vector_load %arg11[%swap3A_610] {strides = array<i32>} : memref<1024xf32, #tpu.memory_space<vmem>>, vector<16xf32>,
    tpu.vector_store %arg11[%swap3A_610], %mul3A_609 {strides = array<i32>} : memref<1024xf32, #tpu.memory_space<vmem>>, vector<16xf32>,
    %get3A_612 = arith.constant 432 : index
    %get3A_613 = tpu.vector_load %arg10[%get3A_612] {strides = array<i32>} : memref<1024xf32, #tpu.memory_space<vmem>>, vector<16xf32>,
    %mul3A_614 = vector.broadcast %reduce_sum3A_449 : f32 to vector<16xf32>
    %mul3A_615 = arith.mulf %get3A_613, %mul3A_614 : vector<16xf32>
    %swap3A_616 = arith.constant 432 : index
    %swap3A_617 = tpu.vector_load %arg11[%swap3A_616] {strides = array<i32>} : memref<1024xf32, #tpu.memory_space<vmem>>, vector<16xf32>,
    tpu.vector_store %arg11[%swap3A_616], %mul3A_615 {strides = array<i32>} : memref<1024xf32, #tpu.memory_space<vmem>>, vector<16xf32>,
    %get3A_618 = arith.constant 448 : index
    %get3A_619 = tpu.vector_load %arg10[%get3A_618] {strides = array<i32>} : memref<1024xf32, #tpu.memory_space<vmem>>, vector<16xf32>,
    %mul3A_620 = vector.broadcast %reduce_sum3A_449 : f32 to vector<16xf32>
    %mul3A_621 = arith.mulf %get3A_619, %mul3A_620 : vector<16xf32>
    %swap3A_622 = arith.constant 448 : index
    %swap3A_623 = tpu.vector_load %arg11[%swap3A_622] {strides = array<i32>} : memref<1024xf32, #tpu.memory_space<vmem>>, vector<16xf32>,
    tpu.vector_store %arg11[%swap3A_622], %mul3A_621 {strides = array<i32>} : memref<1024xf32, #tpu.memory_space<vmem>>, vector<16xf32>,
    %get3A_624 = arith.constant 464 : index
    %get3A_625 = tpu.vector_load %arg10[%get3A_624] {strides = array<i32>} : memref<1024xf32, #tpu.memory_space<vmem>>, vector<16xf32>,
    %mul3A_626 = vector.broadcast %reduce_sum3A_449 : f32 to vector<16xf32>
    %mul3A_627 = arith.mulf %get3A_625, %mul3A_626 : vector<16xf32>
    %swap3A_628 = arith.constant 464 : index
    %swap3A_629 = tpu.vector_load %arg11[%swap3A_628] {strides = array<i32>} : memref<1024xf32, #tpu.memory_space<vmem>>, vector<16xf32>,
    tpu.vector_store %arg11[%swap3A_628], %mul3A_627 {strides = array<i32>} : memref<1024xf32, #tpu.memory_space<vmem>>, vector<16xf32>,
    %get3A_630 = arith.constant 480 : index
    %get3A_631 = tpu.vector_load %arg10[%get3A_630] {strides = array<i32>} : memref<1024xf32, #tpu.memory_space<vmem>>, vector<16xf32>,
    %mul3A_632 = vector.broadcast %reduce_sum3A_449 : f32 to vector<16xf32>
    %mul3A_633 = arith.mulf %get3A_631, %mul3A_632 : vector<16xf32>
    %swap3A_634 = arith.constant 480 : index
    %swap3A_635 = tpu.vector_load %arg11[%swap3A_634] {strides = array<i32>} : memref<1024xf32, #tpu.memory_space<vmem>>, vector<16xf32>,
    tpu.vector_store %arg11[%swap3A_634], %mul3A_633 {strides = array<i32>} : memref<1024xf32, #tpu.memory_space<vmem>>, vector<16xf32>,
    %get3A_636 = arith.constant 496 : index
    %get3A_637 = tpu.vector_load %arg10[%get3A_636] {strides = array<i32>} : memref<1024xf32, #tpu.memory_space<vmem>>, vector<16xf32>,
    %mul3A_638 = vector.broadcast %reduce_sum3A_449 : f32 to vector<16xf32>
    %mul3A_639 = arith.mulf %get3A_637, %mul3A_638 : vector<16xf32>
    %swap3A_640 = arith.constant 496 : index
    %swap3A_641 = tpu.vector_load %arg11[%swap3A_640] {strides = array<i32>} : memref<1024xf32, #tpu.memory_space<vmem>>, vector<16xf32>,
    tpu.vector_store %arg11[%swap3A_640], %mul3A_639 {strides = array<i32>} : memref<1024xf32, #tpu.memory_space<vmem>>, vector<16xf32>,
    %get3A_642 = arith.constant 512 : index
    %get3A_643 = tpu.vector_load %arg10[%get3A_642] {strides = array<i32>} : memref<1024xf32, #tpu.memory_space<vmem>>, vector<16xf32>,
    %mul3A_644 = vector.broadcast %reduce_sum3A_449 : f32 to vector<16xf32>
    %mul3A_645 = arith.mulf %get3A_643, %mul3A_644 : vector<16xf32>
    %swap3A_646 = arith.constant 512 : index
    %swap3A_647 = tpu.vector_load %arg11[%swap3A_646] {strides = array<i32>} : memref<1024xf32, #tpu.memory_space<vmem>>, vector<16xf32>,
    tpu.vector_store %arg11[%swap3A_646], %mul3A_645 {strides = array<i32>} : memref<1024xf32, #tpu.memory_space<vmem>>, vector<16xf32>,
    %get3A_648 = arith.constant 528 : index
    %get3A_649 = tpu.vector_load %arg10[%get3A_648] {strides = array<i32>} : memref<1024xf32, #tpu.memory_space<vmem>>, vector<16xf32>,
    %mul3A_650 = vector.broadcast %reduce_sum3A_449 : f32 to vector<16xf32>
    %mul3A_651 = arith.mulf %get3A_649, %mul3A_650 : vector<16xf32>
    %swap3A_652 = arith.constant 528 : index
    %swap3A_653 = tpu.vector_load %arg11[%swap3A_652] {strides = array<i32>} : memref<1024xf32, #tpu.memory_space<vmem>>, vector<16xf32>,
    tpu.vector_store %arg11[%swap3A_652], %mul3A_651 {strides = array<i32>} : memref<1024xf32, #tpu.memory_space<vmem>>, vector<16xf32>,
    %get3A_654 = arith.constant 544 : index
    %get3A_655 = tpu.vector_load %arg10[%get3A_654] {strides = array<i32>} : memref<1024xf32, #tpu.memory_space<vmem>>, vector<16xf32>,
    %mul3A_656 = vector.broadcast %reduce_sum3A_449 : f32 to vector<16xf32>
    %mul3A_657 = arith.mulf %get3A_655, %mul3A_656 : vector<16xf32>
    %swap3A_658 = arith.constant 544 : index
    %swap3A_659 = tpu.vector_load %arg11[%swap3A_658] {strides = array<i32>} : memref<1024xf32, #tpu.memory_space<vmem>>, vector<16xf32>,
    tpu.vector_store %arg11[%swap3A_658], %mul3A_657 {strides = array<i32>} : memref<1024xf32, #tpu.memory_space<vmem>>, vector<16xf32>,
    %get3A_660 = arith.constant 560 : index
    %get3A_661 = tpu.vector_load %arg10[%get3A_660] {strides = array<i32>} : memref<1024xf32, #tpu.memory_space<vmem>>, vector<16xf32>,
    %mul3A_662 = vector.broadcast %reduce_sum3A_449 : f32 to vector<16xf32>
    %mul3A_663 = arith.mulf %get3A_661, %mul3A_662 : vector<16xf32>
    %swap3A_664 = arith.constant 560 : index
    %swap3A_665 = tpu.vector_load %arg11[%swap3A_664] {strides = array<i32>} : memref<1024xf32, #tpu.memory_space<vmem>>, vector<16xf32>,
    tpu.vector_store %arg11[%swap3A_664], %mul3A_663 {strides = array<i32>} : memref<1024xf32, #tpu.memory_space<vmem>>, vector<16xf32>,
    %get3A_666 = arith.constant 576 : index
    %get3A_667 = tpu.vector_load %arg10[%get3A_666] {strides = array<i32>} : memref<1024xf32, #tpu.memory_space<vmem>>, vector<16xf32>,
    %mul3A_668 = vector.broadcast %reduce_sum3A_449 : f32 to vector<16xf32>
    %mul3A_669 = arith.mulf %get3A_667, %mul3A_668 : vector<16xf32>
    %swap3A_670 = arith.constant 576 : index
    %swap3A_671 = tpu.vector_load %arg11[%swap3A_670] {strides = array<i32>} : memref<1024xf32, #tpu.memory_space<vmem>>, vector<16xf32>,
    tpu.vector_store %arg11[%swap3A_670], %mul3A_669 {strides = array<i32>} : memref<1024xf32, #tpu.memory_space<vmem>>, vector<16xf32>,
    %get3A_672 = arith.constant 592 : index
    %get3A_673 = tpu.vector_load %arg10[%get3A_672] {strides = array<i32>} : memref<1024xf32, #tpu.memory_space<vmem>>, vector<16xf32>,
    %mul3A_674 = vector.broadcast %reduce_sum3A_449 : f32 to vector<16xf32>
    %mul3A_675 = arith.mulf %get3A_673, %mul3A_674 : vector<16xf32>
    %swap3A_676 = arith.constant 592 : index
    %swap3A_677 = tpu.vector_load %arg11[%swap3A_676] {strides = array<i32>} : memref<1024xf32, #tpu.memory_space<vmem>>, vector<16xf32>,
    tpu.vector_store %arg11[%swap3A_676], %mul3A_675 {strides = array<i32>} : memref<1024xf32, #tpu.memory_space<vmem>>, vector<16xf32>,
    %get3A_678 = arith.constant 608 : index
    %get3A_679 = tpu.vector_load %arg10[%get3A_678] {strides = array<i32>} : memref<1024xf32, #tpu.memory_space<vmem>>, vector<16xf32>,
    %mul3A_680 = vector.broadcast %reduce_sum3A_449 : f32 to vector<16xf32>
    %mul3A_681 = arith.mulf %get3A_679, %mul3A_680 : vector<16xf32>
    %swap3A_682 = arith.constant 608 : index
    %swap3A_683 = tpu.vector_load %arg11[%swap3A_682] {strides = array<i32>} : memref<1024xf32, #tpu.memory_space<vmem>>, vector<16xf32>,
    tpu.vector_store %arg11[%swap3A_682], %mul3A_681 {strides = array<i32>} : memref<1024xf32, #tpu.memory_space<vmem>>, vector<16xf32>,
    %get3A_684 = arith.constant 624 : index
    %get3A_685 = tpu.vector_load %arg10[%get3A_684] {strides = array<i32>} : memref<1024xf32, #tpu.memory_space<vmem>>, vector<16xf32>,
    %mul3A_686 = vector.broadcast %reduce_sum3A_449 : f32 to vector<16xf32>
    %mul3A_687 = arith.mulf %get3A_685, %mul3A_686 : vector<16xf32>
    %swap3A_688 = arith.constant 624 : index
    %swap3A_689 = tpu.vector_load %arg11[%swap3A_688] {strides = array<i32>} : memref<1024xf32, #tpu.memory_space<vmem>>, vector<16xf32>,
    tpu.vector_store %arg11[%swap3A_688], %mul3A_687 {strides = array<i32>} : memref<1024xf32, #tpu.memory_space<vmem>>, vector<16xf32>,
    %get3A_690 = arith.constant 640 : index
    %get3A_691 = tpu.vector_load %arg10[%get3A_690] {strides = array<i32>} : memref<1024xf32, #tpu.memory_space<vmem>>, vector<16xf32>,
    %mul3A_692 = vector.broadcast %reduce_sum3A_449 : f32 to vector<16xf32>
    %mul3A_693 = arith.mulf %get3A_691, %mul3A_692 : vector<16xf32>
    %swap3A_694 = arith.constant 640 : index
    %swap3A_695 = tpu.vector_load %arg11[%swap3A_694] {strides = array<i32>} : memref<1024xf32, #tpu.memory_space<vmem>>, vector<16xf32>,
    tpu.vector_store %arg11[%swap3A_694], %mul3A_693 {strides = array<i32>} : memref<1024xf32, #tpu.memory_space<vmem>>, vector<16xf32>,
    %get3A_696 = arith.constant 656 : index
    %get3A_697 = tpu.vector_load %arg10[%get3A_696] {strides = array<i32>} : memref<1024xf32, #tpu.memory_space<vmem>>, vector<16xf32>,
    %mul3A_698 = vector.broadcast %reduce_sum3A_449 : f32 to vector<16xf32>
    %mul3A_699 = arith.mulf %get3A_697, %mul3A_698 : vector<16xf32>
    %swap3A_700 = arith.constant 656 : index
    %swap3A_701 = tpu.vector_load %arg11[%swap3A_700] {strides = array<i32>} : memref<1024xf32, #tpu.memory_space<vmem>>, vector<16xf32>,
    tpu.vector_store %arg11[%swap3A_700], %mul3A_699 {strides = array<i32>} : memref<1024xf32, #tpu.memory_space<vmem>>, vector<16xf32>,
    %get3A_702 = arith.constant 672 : index
    %get3A_703 = tpu.vector_load %arg10[%get3A_702] {strides = array<i32>} : memref<1024xf32, #tpu.memory_space<vmem>>, vector<16xf32>,
    %mul3A_704 = vector.broadcast %reduce_sum3A_449 : f32 to vector<16xf32>
    %mul3A_705 = arith.mulf %get3A_703, %mul3A_704 : vector<16xf32>
    %swap3A_706 = arith.constant 672 : index
    %swap3A_707 = tpu.vector_load %arg11[%swap3A_706] {strides = array<i32>} : memref<1024xf32, #tpu.memory_space<vmem>>, vector<16xf32>,
    tpu.vector_store %arg11[%swap3A_706], %mul3A_705 {strides = array<i32>} : memref<1024xf32, #tpu.memory_space<vmem>>, vector<16xf32>,
    %get3A_708 = arith.constant 688 : index
    %get3A_709 = tpu.vector_load %arg10[%get3A_708] {strides = array<i32>} : memref<1024xf32, #tpu.memory_space<vmem>>, vector<16xf32>,
    %mul3A_710 = vector.broadcast %reduce_sum3A_449 : f32 to vector<16xf32>
    %mul3A_711 = arith.mulf %get3A_709, %mul3A_710 : vector<16xf32>
    %swap3A_712 = arith.constant 688 : index
    %swap3A_713 = tpu.vector_load %arg11[%swap3A_712] {strides = array<i32>} : memref<1024xf32, #tpu.memory_space<vmem>>, vector<16xf32>,
    tpu.vector_store %arg11[%swap3A_712], %mul3A_711 {strides = array<i32>} : memref<1024xf32, #tpu.memory_space<vmem>>, vector<16xf32>,
    %get3A_714 = arith.constant 704 : index
    %get3A_715 = tpu.vector_load %arg10[%get3A_714] {strides = array<i32>} : memref<1024xf32, #tpu.memory_space<vmem>>, vector<16xf32>,
    %mul3A_716 = vector.broadcast %reduce_sum3A_449 : f32 to vector<16xf32>
    %mul3A_717 = arith.mulf %get3A_715, %mul3A_716 : vector<16xf32>
    %swap3A_718 = arith.constant 704 : index
    %swap3A_719 = tpu.vector_load %arg11[%swap3A_718] {strides = array<i32>} : memref<1024xf32, #tpu.memory_space<vmem>>, vector<16xf32>,
    tpu.vector_store %arg11[%swap3A_718], %mul3A_717 {strides = array<i32>} : memref<1024xf32, #tpu.memory_space<vmem>>, vector<16xf32>,
    %get3A_720 = arith.constant 720 : index
    %get3A_721 = tpu.vector_load %arg10[%get3A_720] {strides = array<i32>} : memref<1024xf32, #tpu.memory_space<vmem>>, vector<16xf32>,
    %mul3A_722 = vector.broadcast %reduce_sum3A_449 : f32 to vector<16xf32>
    %mul3A_723 = arith.mulf %get3A_721, %mul3A_722 : vector<16xf32>
    %swap3A_724 = arith.constant 720 : index
    %swap3A_725 = tpu.vector_load %arg11[%swap3A_724] {strides = array<i32>} : memref<1024xf32, #tpu.memory_space<vmem>>, vector<16xf32>,
    tpu.vector_store %arg11[%swap3A_724], %mul3A_723 {strides = array<i32>} : memref<1024xf32, #tpu.memory_space<vmem>>, vector<16xf32>,
    %get3A_726 = arith.constant 736 : index
    %get3A_727 = tpu.vector_load %arg10[%get3A_726] {strides = array<i32>} : memref<1024xf32, #tpu.memory_space<vmem>>, vector<16xf32>,
    %mul3A_728 = vector.broadcast %reduce_sum3A_449 : f32 to vector<16xf32>
    %mul3A_729 = arith.mulf %get3A_727, %mul3A_728 : vector<16xf32>
    %swap3A_730 = arith.constant 736 : index
    %swap3A_731 = tpu.vector_load %arg11[%swap3A_730] {strides = array<i32>} : memref<1024xf32, #tpu.memory_space<vmem>>, vector<16xf32>,
    tpu.vector_store %arg11[%swap3A_730], %mul3A_729 {strides = array<i32>} : memref<1024xf32, #tpu.memory_space<vmem>>, vector<16xf32>,
    %get3A_732 = arith.constant 752 : index
    %get3A_733 = tpu.vector_load %arg10[%get3A_732] {strides = array<i32>} : memref<1024xf32, #tpu.memory_space<vmem>>, vector<16xf32>,
    %mul3A_734 = vector.broadcast %reduce_sum3A_449 : f32 to vector<16xf32>
    %mul3A_735 = arith.mulf %get3A_733, %mul3A_734 : vector<16xf32>
    %swap3A_736 = arith.constant 752 : index
    %swap3A_737 = tpu.vector_load %arg11[%swap3A_736] {strides = array<i32>} : memref<1024xf32, #tpu.memory_space<vmem>>, vector<16xf32>,
    tpu.vector_store %arg11[%swap3A_736], %mul3A_735 {strides = array<i32>} : memref<1024xf32, #tpu.memory_space<vmem>>, vector<16xf32>,
    %get3A_738 = arith.constant 768 : index
    %get3A_739 = tpu.vector_load %arg10[%get3A_738] {strides = array<i32>} : memref<1024xf32, #tpu.memory_space<vmem>>, vector<16xf32>,
    %mul3A_740 = vector.broadcast %reduce_sum3A_449 : f32 to vector<16xf32>
    %mul3A_741 = arith.mulf %get3A_739, %mul3A_740 : vector<16xf32>
    %swap3A_742 = arith.constant 768 : index
    %swap3A_743 = tpu.vector_load %arg11[%swap3A_742] {strides = array<i32>} : memref<1024xf32, #tpu.memory_space<vmem>>, vector<16xf32>,
    tpu.vector_store %arg11[%swap3A_742], %mul3A_741 {strides = array<i32>} : memref<1024xf32, #tpu.memory_space<vmem>>, vector<16xf32>,
    %get3A_744 = arith.constant 784 : index
    %get3A_745 = tpu.vector_load %arg10[%get3A_744] {strides = array<i32>} : memref<1024xf32, #tpu.memory_space<vmem>>, vector<16xf32>,
    %mul3A_746 = vector.broadcast %reduce_sum3A_449 : f32 to vector<16xf32>
    %mul3A_747 = arith.mulf %get3A_745, %mul3A_746 : vector<16xf32>
    %swap3A_748 = arith.constant 784 : index
    %swap3A_749 = tpu.vector_load %arg11[%swap3A_748] {strides = array<i32>} : memref<1024xf32, #tpu.memory_space<vmem>>, vector<16xf32>,
    tpu.vector_store %arg11[%swap3A_748], %mul3A_747 {strides = array<i32>} : memref<1024xf32, #tpu.memory_space<vmem>>, vector<16xf32>,
    %get3A_750 = arith.constant 800 : index
    %get3A_751 = tpu.vector_load %arg10[%get3A_750] {strides = array<i32>} : memref<1024xf32, #tpu.memory_space<vmem>>, vector<16xf32>,
    %mul3A_752 = vector.broadcast %reduce_sum3A_449 : f32 to vector<16xf32>
    %mul3A_753 = arith.mulf %get3A_751, %mul3A_752 : vector<16xf32>
    %swap3A_754 = arith.constant 800 : index
    %swap3A_755 = tpu.vector_load %arg11[%swap3A_754] {strides = array<i32>} : memref<1024xf32, #tpu.memory_space<vmem>>, vector<16xf32>,
    tpu.vector_store %arg11[%swap3A_754], %mul3A_753 {strides = array<i32>} : memref<1024xf32, #tpu.memory_space<vmem>>, vector<16xf32>,
    %get3A_756 = arith.constant 816 : index
    %get3A_757 = tpu.vector_load %arg10[%get3A_756] {strides = array<i32>} : memref<1024xf32, #tpu.memory_space<vmem>>, vector<16xf32>,
    %mul3A_758 = vector.broadcast %reduce_sum3A_449 : f32 to vector<16xf32>
    %mul3A_759 = arith.mulf %get3A_757, %mul3A_758 : vector<16xf32>
    %swap3A_760 = arith.constant 816 : index
    %swap3A_761 = tpu.vector_load %arg11[%swap3A_760] {strides = array<i32>} : memref<1024xf32, #tpu.memory_space<vmem>>, vector<16xf32>,
    tpu.vector_store %arg11[%swap3A_760], %mul3A_759 {strides = array<i32>} : memref<1024xf32, #tpu.memory_space<vmem>>, vector<16xf32>,
    %get3A_762 = arith.constant 832 : index
    %get3A_763 = tpu.vector_load %arg10[%get3A_762] {strides = array<i32>} : memref<1024xf32, #tpu.memory_space<vmem>>, vector<16xf32>,
    %mul3A_764 = vector.broadcast %reduce_sum3A_449 : f32 to vector<16xf32>
    %mul3A_765 = arith.mulf %get3A_763, %mul3A_764 : vector<16xf32>
    %swap3A_766 = arith.constant 832 : index
    %swap3A_767 = tpu.vector_load %arg11[%swap3A_766] {strides = array<i32>} : memref<1024xf32, #tpu.memory_space<vmem>>, vector<16xf32>,
    tpu.vector_store %arg11[%swap3A_766], %mul3A_765 {strides = array<i32>} : memref<1024xf32, #tpu.memory_space<vmem>>, vector<16xf32>,
    %get3A_768 = arith.constant 848 : index
    %get3A_769 = tpu.vector_load %arg10[%get3A_768] {strides = array<i32>} : memref<1024xf32, #tpu.memory_space<vmem>>, vector<16xf32>,
    %mul3A_770 = vector.broadcast %reduce_sum3A_449 : f32 to vector<16xf32>
    %mul3A_771 = arith.mulf %get3A_769, %mul3A_770 : vector<16xf32>
    %swap3A_772 = arith.constant 848 : index
    %swap3A_773 = tpu.vector_load %arg11[%swap3A_772] {strides = array<i32>} : memref<1024xf32, #tpu.memory_space<vmem>>, vector<16xf32>,
    tpu.vector_store %arg11[%swap3A_772], %mul3A_771 {strides = array<i32>} : memref<1024xf32, #tpu.memory_space<vmem>>, vector<16xf32>,
    %get3A_774 = arith.constant 864 : index
    %get3A_775 = tpu.vector_load %arg10[%get3A_774] {strides = array<i32>} : memref<1024xf32, #tpu.memory_space<vmem>>, vector<16xf32>,
    %mul3A_776 = vector.broadcast %reduce_sum3A_449 : f32 to vector<16xf32>
    %mul3A_777 = arith.mulf %get3A_775, %mul3A_776 : vector<16xf32>
    %swap3A_778 = arith.constant 864 : index
    %swap3A_779 = tpu.vector_load %arg11[%swap3A_778] {strides = array<i32>} : memref<1024xf32, #tpu.memory_space<vmem>>, vector<16xf32>,
    tpu.vector_store %arg11[%swap3A_778], %mul3A_777 {strides = array<i32>} : memref<1024xf32, #tpu.memory_space<vmem>>, vector<16xf32>,
    %get3A_780 = arith.constant 880 : index
    %get3A_781 = tpu.vector_load %arg10[%get3A_780] {strides = array<i32>} : memref<1024xf32, #tpu.memory_space<vmem>>, vector<16xf32>,
    %mul3A_782 = vector.broadcast %reduce_sum3A_449 : f32 to vector<16xf32>
    %mul3A_783 = arith.mulf %get3A_781, %mul3A_782 : vector<16xf32>
    %swap3A_784 = arith.constant 880 : index
    %swap3A_785 = tpu.vector_load %arg11[%swap3A_784] {strides = array<i32>} : memref<1024xf32, #tpu.memory_space<vmem>>, vector<16xf32>,
    tpu.vector_store %arg11[%swap3A_784], %mul3A_783 {strides = array<i32>} : memref<1024xf32, #tpu.memory_space<vmem>>, vector<16xf32>,
    %get3A_786 = arith.constant 896 : index
    %get3A_787 = tpu.vector_load %arg10[%get3A_786] {strides = array<i32>} : memref<1024xf32, #tpu.memory_space<vmem>>, vector<16xf32>,
    %mul3A_788 = vector.broadcast %reduce_sum3A_449 : f32 to vector<16xf32>
    %mul3A_789 = arith.mulf %get3A_787, %mul3A_788 : vector<16xf32>
    %swap3A_790 = arith.constant 896 : index
    %swap3A_791 = tpu.vector_load %arg11[%swap3A_790] {strides = array<i32>} : memref<1024xf32, #tpu.memory_space<vmem>>, vector<16xf32>,
    tpu.vector_store %arg11[%swap3A_790], %mul3A_789 {strides = array<i32>} : memref<1024xf32, #tpu.memory_space<vmem>>, vector<16xf32>,
    %get3A_792 = arith.constant 912 : index
    %get3A_793 = tpu.vector_load %arg10[%get3A_792] {strides = array<i32>} : memref<1024xf32, #tpu.memory_space<vmem>>, vector<16xf32>,
    %mul3A_794 = vector.broadcast %reduce_sum3A_449 : f32 to vector<16xf32>
    %mul3A_795 = arith.mulf %get3A_793, %mul3A_794 : vector<16xf32>
    %swap3A_796 = arith.constant 912 : index
    %swap3A_797 = tpu.vector_load %arg11[%swap3A_796] {strides = array<i32>} : memref<1024xf32, #tpu.memory_space<vmem>>, vector<16xf32>,
    tpu.vector_store %arg11[%swap3A_796], %mul3A_795 {strides = array<i32>} : memref<1024xf32, #tpu.memory_space<vmem>>, vector<16xf32>,
    %get3A_798 = arith.constant 928 : index
    %get3A_799 = tpu.vector_load %arg10[%get3A_798] {strides = array<i32>} : memref<1024xf32, #tpu.memory_space<vmem>>, vector<16xf32>,
    %mul3A_800 = vector.broadcast %reduce_sum3A_449 : f32 to vector<16xf32>
    %mul3A_801 = arith.mulf %get3A_799, %mul3A_800 : vector<16xf32>
    %swap3A_802 = arith.constant 928 : index
    %swap3A_803 = tpu.vector_load %arg11[%swap3A_802] {strides = array<i32>} : memref<1024xf32, #tpu.memory_space<vmem>>, vector<16xf32>,
    tpu.vector_store %arg11[%swap3A_802], %mul3A_801 {strides = array<i32>} : memref<1024xf32, #tpu.memory_space<vmem>>, vector<16xf32>,
    %get3A_804 = arith.constant 944 : index
    %get3A_805 = tpu.vector_load %arg10[%get3A_804] {strides = array<i32>} : memref<1024xf32, #tpu.memory_space<vmem>>, vector<16xf32>,
    %mul3A_806 = vector.broadcast %reduce_sum3A_449 : f32 to vector<16xf32>
    %mul3A_807 = arith.mulf %get3A_805, %mul3A_806 : vector<16xf32>
    %swap3A_808 = arith.constant 944 : index
    %swap3A_809 = tpu.vector_load %arg11[%swap3A_808] {strides = array<i32>} : memref<1024xf32, #tpu.memory_space<vmem>>, vector<16xf32>,
    tpu.vector_store %arg11[%swap3A_808], %mul3A_807 {strides = array<i32>} : memref<1024xf32, #tpu.memory_space<vmem>>, vector<16xf32>,
    %get3A_810 = arith.constant 960 : index
    %get3A_811 = tpu.vector_load %arg10[%get3A_810] {strides = array<i32>} : memref<1024xf32, #tpu.memory_space<vmem>>, vector<16xf32>,
    %mul3A_812 = vector.broadcast %reduce_sum3A_449 : f32 to vector<16xf32>
    %mul3A_813 = arith.mulf %get3A_811, %mul3A_812 : vector<16xf32>
    %swap3A_814 = arith.constant 960 : index
    %swap3A_815 = tpu.vector_load %arg11[%swap3A_814] {strides = array<i32>} : memref<1024xf32, #tpu.memory_space<vmem>>, vector<16xf32>,
    tpu.vector_store %arg11[%swap3A_814], %mul3A_813 {strides = array<i32>} : memref<1024xf32, #tpu.memory_space<vmem>>, vector<16xf32>,
    %get3A_816 = arith.constant 976 : index
    %get3A_817 = tpu.vector_load %arg10[%get3A_816] {strides = array<i32>} : memref<1024xf32, #tpu.memory_space<vmem>>, vector<16xf32>,
    %mul3A_818 = vector.broadcast %reduce_sum3A_449 : f32 to vector<16xf32>
    %mul3A_819 = arith.mulf %get3A_817, %mul3A_818 : vector<16xf32>
    %swap3A_820 = arith.constant 976 : index
    %swap3A_821 = tpu.vector_load %arg11[%swap3A_820] {strides = array<i32>} : memref<1024xf32, #tpu.memory_space<vmem>>, vector<16xf32>,
    tpu.vector_store %arg11[%swap3A_820], %mul3A_819 {strides = array<i32>} : memref<1024xf32, #tpu.memory_space<vmem>>, vector<16xf32>,
    %get3A_822 = arith.constant 992 : index
    %get3A_823 = tpu.vector_load %arg10[%get3A_822] {strides = array<i32>} : memref<1024xf32, #tpu.memory_space<vmem>>, vector<16xf32>,
    %mul3A_824 = vector.broadcast %reduce_sum3A_449 : f32 to vector<16xf32>
    %mul3A_825 = arith.mulf %get3A_823, %mul3A_824 : vector<16xf32>
    %swap3A_826 = arith.constant 992 : index
    %swap3A_827 = tpu.vector_load %arg11[%swap3A_826] {strides = array<i32>} : memref<1024xf32, #tpu.memory_space<vmem>>, vector<16xf32>,
    tpu.vector_store %arg11[%swap3A_826], %mul3A_825 {strides = array<i32>} : memref<1024xf32, #tpu.memory_space<vmem>>, vector<16xf32>,
    %get3A_828 = arith.constant 1008 : index
    %get3A_829 = tpu.vector_load %arg10[%get3A_828] {strides = array<i32>} : memref<1024xf32, #tpu.memory_space<vmem>>, vector<16xf32>,
    %mul3A_830 = vector.broadcast %reduce_sum3A_449 : f32 to vector<16xf32>
    %mul3A_831 = arith.mulf %get3A_829, %mul3A_830 : vector<16xf32>
    %swap3A_832 = arith.constant 1008 : index
    %swap3A_833 = tpu.vector_load %arg11[%swap3A_832] {strides = array<i32>} : memref<1024xf32, #tpu.memory_space<vmem>>, vector<16xf32>,
    tpu.vector_store %arg11[%swap3A_832], %mul3A_831 {strides = array<i32>} : memref<1024xf32, #tpu.memory_space<vmem>>, vector<16xf32>,
    %dma_start3A_834 = arith.constant 0 : i32
    %dma_start3A_835 = tpu.memref_slice %arg6[%arg1, %dma_start3A_834] : memref<16x16xf32, #tpu.memory_space<hbm>> -> memref<1x16xf32, #tpu.memory_space<hbm>>
    %dma_start3A_836 = tpu.memref_squeeze %dma_start3A_835 : memref<1x16xf32, #tpu.memory_space<hbm>> -> memref<16xf32, #tpu.memory_space<hbm>>
    %dma_start3A_837 = arith.constant 0 : i32
    %dma_start3A_838 = tpu.memref_slice %arg6[%arg1, %dma_start3A_837] : memref<16x16xf32, #tpu.memory_space<hbm>> -> memref<1x16xf32, #tpu.memory_space<hbm>>
    %dma_start3A_839 = tpu.memref_squeeze %dma_start3A_838 : memref<1x16xf32, #tpu.memory_space<hbm>> -> memref<16xf32, #tpu.memory_space<hbm>>
    tpu.enqueue_dma source(%arg12 : memref<16xf32, #tpu.memory_space<vmem>>) target(%dma_start3A_839 : memref<16xf32, #tpu.memory_space<hbm>>) target_semaphore(%arg14 : memref<!tpu.dma_semaphore, #tpu.memory_space<semaphore_mem>>)
    %dma_start3A_840 = arith.constant 0 : i32
    %dma_start3A_841 = tpu.memref_slice %arg7[%arg1, %dma_start3A_840] : memref<16x1024xf32, #tpu.memory_space<hbm>> -> memref<1x1024xf32, #tpu.memory_space<hbm>>
    %dma_start3A_842 = tpu.memref_squeeze %dma_start3A_841 : memref<1x1024xf32, #tpu.memory_space<hbm>> -> memref<1024xf32, #tpu.memory_space<hbm>>
    %dma_start3A_843 = arith.constant 0 : i32
    %dma_start3A_844 = tpu.memref_slice %arg7[%arg1, %dma_start3A_843] : memref<16x1024xf32, #tpu.memory_space<hbm>> -> memref<1x1024xf32, #tpu.memory_space<hbm>>
    %dma_start3A_845 = tpu.memref_squeeze %dma_start3A_844 : memref<1x1024xf32, #tpu.memory_space<hbm>> -> memref<1024xf32, #tpu.memory_space<hbm>>
    tpu.enqueue_dma source(%arg11 : memref<1024xf32, #tpu.memory_space<vmem>>) target(%dma_start3A_845 : memref<1024xf32, #tpu.memory_space<hbm>>) target_semaphore(%arg14 : memref<!tpu.dma_semaphore, #tpu.memory_space<semaphore_mem>>)
    %dma_wait3A_846 = arith.constant 0 : i32
    %dma_wait3A_847 = tpu.memref_slice %arg6[%arg1, %dma_wait3A_846] : memref<16x16xf32, #tpu.memory_space<hbm>> -> memref<1x16xf32, #tpu.memory_space<hbm>>
    %dma_wait3A_848 = tpu.memref_squeeze %dma_wait3A_847 : memref<1x16xf32, #tpu.memory_space<hbm>> -> memref<16xf32, #tpu.memory_space<hbm>>
    %dma_wait3A_849 = arith.constant 0 : i32
    %dma_wait3A_850 = tpu.memref_slice %arg6[%arg1, %dma_wait3A_849] : memref<16x16xf32, #tpu.memory_space<hbm>> -> memref<1x16xf32, #tpu.memory_space<hbm>>
    %dma_wait3A_851 = tpu.memref_squeeze %dma_wait3A_850 : memref<1x16xf32, #tpu.memory_space<hbm>> -> memref<16xf32, #tpu.memory_space<hbm>>
    tpu.wait_dma2 semaphore(%arg14 : memref<!tpu.dma_semaphore, #tpu.memory_space<semaphore_mem>>) src(%arg12 : memref<16xf32, #tpu.memory_space<vmem>>) dst(%dma_wait3A_851 : memref<16xf32, #tpu.memory_space<hbm>>)
    %dma_wait3A_852 = arith.constant 0 : i32
    %dma_wait3A_853 = tpu.memref_slice %arg7[%arg1, %dma_wait3A_852] : memref<16x1024xf32, #tpu.memory_space<hbm>> -> memref<1x1024xf32, #tpu.memory_space<hbm>>
    %dma_wait3A_854 = tpu.memref_squeeze %dma_wait3A_853 : memref<1x1024xf32, #tpu.memory_space<hbm>> -> memref<1024xf32, #tpu.memory_space<hbm>>
    %dma_wait3A_855 = arith.constant 0 : i32
    %dma_wait3A_856 = tpu.memref_slice %arg7[%arg1, %dma_wait3A_855] : memref<16x1024xf32, #tpu.memory_space<hbm>> -> memref<1x1024xf32, #tpu.memory_space<hbm>>
    %dma_wait3A_857 = tpu.memref_squeeze %dma_wait3A_856 : memref<1x1024xf32, #tpu.memory_space<hbm>> -> memref<1024xf32, #tpu.memory_space<hbm>>
    tpu.wait_dma2 semaphore(%arg14 : memref<!tpu.dma_semaphore, #tpu.memory_space<semaphore_mem>>) src(%arg11 : memref<1024xf32, #tpu.memory_space<vmem>>) dst(%dma_wait3A_857 : memref<1024xf32, #tpu.memory_space<hbm>>)
    return
  }
}

module attributes {stable_mosaic.version = 14 : i64} {
  func.func @_tc_step(%arg0: i32, %arg1: memref<4x512x1024xf32, #tpu.memory_space<vmem>>, %arg2: memref<4x1x1024xf32, #tpu.memory_space<vmem>>, %arg3: memref<1x1024xf32, #tpu.memory_space<vmem>>, %arg4: memref<4x1x1xi32, #tpu.memory_space<vmem>>, %arg5: memref<4x512x1024xf32, #tpu.memory_space<vmem>>) attributes {dimension_semantics = [#tpu.dimension_semantics<arbitrary>], iteration_bounds = array<i64: 4>, scalar_prefetch = 0 : i64, scratch_operands = 0 : i64, tpu.core_type = #tpu.core_type<tc>, window_params = [{transform_indices = @transform_0, window_bounds = array<i64: 4, 512, 1024>}, {transform_indices = @transform_1, window_bounds = array<i64: 4, 1, 1024>}, {pipeline_mode = #tpu.pipeline_mode<synchronous>, transform_indices = @transform_2, window_bounds = array<i64: 1, 1024>}, {transform_indices = @transform_3, window_bounds = array<i64: 4, 1, 1>}, {transform_indices = @transform_4, window_bounds = array<i64: 4, 512, 1024>}]} {
    %get3A = arith.constant 0 : index
    %get3A_0 = arith.constant 0 : index
    %get3A_1 = arith.constant 0 : index
    %get3A_2 = vector.load %arg2[%get3A, %get3A_0, %get3A_1] : memref<4x1x1024xf32, #tpu.memory_space<vmem>>, vector<4x1x1024xf32>
    %get3A_3 = vector.shape_cast %get3A_2 : vector<4x1x1024xf32> to vector<4x1024xf32>
    %get3A_4 = arith.constant 0 : index
    %get3A_5 = arith.constant 0 : index
    %get3A_6 = vector.load %arg3[%get3A_4, %get3A_5] : memref<1x1024xf32, #tpu.memory_space<vmem>>, vector<1x1024xf32>
    %mul3A = vector.broadcast %get3A_6 : vector<1x1024xf32> to vector<4x1024xf32>
    %mul3A_7 = arith.mulf %get3A_3, %mul3A : vector<4x1024xf32>
    %reduce_sum3A = arith.constant dense<0.000000e+00> : vector<4xf32>
    %reduce_sum3A_8 = vector.multi_reduction <add>, %mul3A_7, %reduce_sum3A [1] : vector<4x1024xf32> to vector<4xf32>
    %broadcast_in_dim3A = vector.shape_cast %reduce_sum3A_8 : vector<4xf32> to vector<4x1xf32>
    %iota3A = tpu.iota {dimensions = array<i32: 1>} : vector<1x11xi32>
    %convert_element_type3A = arith.sitofp %iota3A : vector<1x11xi32> to vector<1x11xf32>
    %eq3A = arith.constant 1.000000e+01 : f32
    %eq3A_9 = vector.broadcast %eq3A : f32 to vector<1x11xf32>
    %eq3A_10 = arith.cmpf oeq, %convert_element_type3A, %eq3A_9 : vector<1x11xf32>
    %jit3A = arith.constant 0.000000e+00 : f32
    %broadcast_in_dim3A_11 = vector.shape_cast %eq3A_10 : vector<1x11xi1> to vector<1x11xi1>
    %broadcast_in_dim3A_12 = vector.broadcast %broadcast_in_dim3A_11 : vector<1x11xi1> to vector<4x11xi1>
    %broadcast_in_dim3A_13 = vector.shape_cast %broadcast_in_dim3A : vector<4x1xf32> to vector<4x1xf32>
    %broadcast_in_dim3A_14 = vector.broadcast %broadcast_in_dim3A_13 : vector<4x1xf32> to vector<4x11xf32>
    %broadcast_in_dim3A_15 = vector.broadcast %jit3A : f32 to vector<4x11xf32>
    %select_n3A = arith.select %broadcast_in_dim3A_12, %broadcast_in_dim3A_14, %broadcast_in_dim3A_15 : vector<4x11xi1>, vector<4x11xf32>
    %get3A_16 = arith.constant 0 : index
    %get3A_17 = arith.constant 0 : index
    %get3A_18 = arith.constant 0 : index
    %get3A_19 = vector.load %arg4[%get3A_16, %get3A_17, %get3A_18] : memref<4x1x1xi32, #tpu.memory_space<vmem>>, vector<4x1x1xi32>
    %get3A_20 = vector.shape_cast %get3A_19 : vector<4x1x1xi32> to vector<4x1xi32>
    %convert_element_type3A_21 = arith.sitofp %get3A_20 : vector<4x1xi32> to vector<4x1xf32>
    %sub3A = arith.constant 1.100000e+01 : f32
    %sub3A_22 = vector.broadcast %sub3A : f32 to vector<4x1xf32>
    %sub3A_23 = arith.subf %sub3A_22, %convert_element_type3A_21 : vector<4x1xf32>
    %ge3A = vector.broadcast %convert_element_type3A : vector<1x11xf32> to vector<4x11xf32>
    %ge3A_24 = vector.broadcast %sub3A_23 : vector<4x1xf32> to vector<4x11xf32>
    %ge3A_25 = arith.cmpf oge, %ge3A, %ge3A_24 : vector<4x11xf32>
    %convert_element_type3A_26 = arith.extui %ge3A_25 : vector<4x11xi1> to vector<4x11xi32>
    %convert_element_type3A_27 = arith.sitofp %convert_element_type3A_26 : vector<4x11xi32> to vector<4x11xf32>
    %exp3A = math.exp %select_n3A : vector<4x11xf32>
    %mul3A_28 = arith.mulf %exp3A, %convert_element_type3A_27 : vector<4x11xf32>
    %slice3A = vector.extract_strided_slice %mul3A_28 {offsets = [0, 10], sizes = [4, 1], strides = [1, 1]} : vector<4x11xf32> to vector<4x1xf32>
    %squeeze3A = vector.shape_cast %slice3A : vector<4x1xf32> to vector<4xf32>
    %reduce_sum3A_29 = arith.constant dense<0.000000e+00> : vector<4xf32>
    %reduce_sum3A_30 = vector.multi_reduction <add>, %mul3A_28, %reduce_sum3A_29 [1] : vector<4x11xf32> to vector<4xf32>
    %div3A = arith.divf %squeeze3A, %reduce_sum3A_30 : vector<4xf32>
    %reshape3A = vector.shape_cast %div3A : vector<4xf32> to vector<4x1x1xf32>
    %get3A_31 = arith.constant 0 : index
    %get3A_32 = arith.constant 0 : index
    %get3A_33 = arith.constant 0 : index
    %get3A_34 = vector.load %arg1[%get3A_31, %get3A_32, %get3A_33] : memref<4x512x1024xf32, #tpu.memory_space<vmem>>, vector<4x512x1024xf32>
    %mul3A_35 = vector.broadcast %reshape3A : vector<4x1x1xf32> to vector<4x512x1024xf32>
    %mul3A_36 = arith.mulf %get3A_34, %mul3A_35 : vector<4x512x1024xf32>
    %swap3A = arith.constant 0 : index
    %swap3A_37 = arith.constant 0 : index
    %swap3A_38 = arith.constant 0 : index
    %swap3A_39 = vector.load %arg5[%swap3A, %swap3A_37, %swap3A_38] : memref<4x512x1024xf32, #tpu.memory_space<vmem>>, vector<4x512x1024xf32>
    tpu.vector_store %arg5[%swap3A, %swap3A_37, %swap3A_38], %mul3A_36 {strides = array<i32>} : memref<4x512x1024xf32, #tpu.memory_space<vmem>>, vector<4x512x1024xf32>,
    return
  }
  func.func @transform_0(%arg0: i32) -> (i32, i32, i32) {
    %c0_i32 = arith.constant 0 : i32
    %c0_i32_0 = arith.constant 0 : i32
    %c0_i32_1 = arith.constant 0 : i32
    return %arg0, %c0_i32, %c0_i32_0 : i32, i32, i32
  }
  func.func @transform_1(%arg0: i32) -> (i32, i32, i32) {
    %c0_i32 = arith.constant 0 : i32
    %c0_i32_0 = arith.constant 0 : i32
    %c0_i32_1 = arith.constant 0 : i32
    return %arg0, %c0_i32, %c0_i32_0 : i32, i32, i32
  }
  func.func @transform_2(%arg0: i32) -> (i32, i32) {
    %c0_i32 = arith.constant 0 : i32
    %c0_i32_0 = arith.constant 0 : i32
    %c0_i32_1 = arith.constant 0 : i32
    return %c0_i32, %c0_i32_0 : i32, i32
  }
  func.func @transform_3(%arg0: i32) -> (i32, i32, i32) {
    %c0_i32 = arith.constant 0 : i32
    %c0_i32_0 = arith.constant 0 : i32
    %c0_i32_1 = arith.constant 0 : i32
    return %arg0, %c0_i32, %c0_i32_0 : i32, i32, i32
  }
  func.func @transform_4(%arg0: i32) -> (i32, i32, i32) {
    %c0_i32 = arith.constant 0 : i32
    %c0_i32_0 = arith.constant 0 : i32
    %c0_i32_1 = arith.constant 0 : i32
    return %arg0, %c0_i32, %c0_i32_0 : i32, i32, i32
  }
}

</mosaic_0001>

<sc_bundles>
// kernel: kernel.4.cloned.1.call-start
scs
__scs_entry_jumppad:
0x0: {  	(pc) =	sbr.rel $0x88, $3  }
0x1: {  	(tag) =	ssettag $0x0;
	lr =	simm.s32 $0x1  }
0x2: {  	[smem:$0x3F9C] =	sst lr;
	_ =	strace $0xD0000000  }
0x3: {  	_ = 	snop  }
0x4: {  	_ = 	snop  }
0x5: {  	_ = 	snop  }
0x6: {  	_ = 	snop  }
0x7: {  	_ = 	snop  }
__scs_overlays_trampoline_lowered:
0x8: {  	[smem:$0x3FAB] =	sst s0  }
0x9: {  	[smem:$0x3FAC] =	sst s1  }
0xa: {  	[smem:$0x3FAD] =	sst s2  }
0xb: {  	[smem:$0x3FAE] =	sst s3  }
0xc: {  	[smem:$0x3FAF] =	sst s4  }
0xd: {  	[smem:$0x3FB0] =	sst s5  }
0xe: {  	[smem:$0x3FB1] =	sst s6  }
0xf: {  	[smem:$0x3FB2] =	sst s7  }
0x10: {  	[smem:$0x3FB3] =	sst s8  }
0x11: {  	[smem:$0x3FB4] =	sst s9;
	s0 =	simm.s32 @!p0 $0x0  }
0x12: {  	s1 =	sld [smem:$0x3F9A];
	s0 =	simm.s32 @p0 $0x1  }
0x13: {  	[smem:$0x3FB5] =	sst s0;
	s0 =	simm.s32 @!p1 $0x0  }
0x14: {  	s2 =	sld [smem:$0x3F99];
	s0 =	simm.s32 @p1 $0x1  }
0x15: {  	[smem:$0x3FB6] =	sst s0;
	s0 =	simm.s32 @!p2 $0x0  }
0x16: {  	s3 =	sld [smem:$0x3FDB];
	s0 =	simm.s32 @p2 $0x1  }
0x17: {  	s4 =	simm.s32 $0x1BF5;
	[smem:$0x3FB8] =	sst s0  }
0x18: {  	s0 =	sld [smem:$0x3F9B];
	_ =	swait.ge [sflag:s4], $0x0  }
0x19: {  	s7 =	sld [smem:$0x3F9C]  }
0x1a: {  	s8 =	sadd.s32 $0xFFFFE003, lr  }
0x1b: {  	s9 =	sadd.s32 $0xFFFFFEF7, lr;
	s5 =	simm.s32 $0xFFFFFFFF;
	p2 =	slt.u32 s8, $0xFFFFF086  }
0x1c: {  	p1 =	slt.u32 s9, $0xF7A;
	s5 =	simm.s32 @!p2 $0x0  }
0x1d: {  	s5 =	simm.s32 @p1 $0x1;
	p0 =	seq.s32 s7, s2  }
0x1e: {  	s7 =	smul.u32 @!p0 $0xF7A, s2;
	p2 =	seq.s32 @!p0 s5, $0x0  }
0x1f: {  	s9 =	smul.u32 $0xF7A, s1;
	s8 =	simm.s32 @!p0 $0x1BF5;
	p2 =	por !p2, p0  }
0x20: {  	[sflag:s8] =	ssyncset.s32 @!p0 $0xFFFFF086;
	s6 =	sadd.s32 @!p0 s3, s7;
	s7 =	simm.s32 @!p0 $0x108  }
0x21: {  	s3 =	sadd.s32 s3, s9;
	s6 =	sadd.s32 @!p0 $0x88, s6;
	s7 =	simm.s32 @p2 $0x1082  }
0x22: {  	[simem:s7], [sflag:s8] =	dma.local @!p0 [hbm:s6], $0xF7A  }
0x23: {  	s9 =	sor.u32 $0xD0000000, s2;
	s6 =	simm.s32 $0x108;
	_ =	swait.ge @!p0 [sflag:s8], $0x0  }
0x24: {  	s3 =	sadd.s32 $0x88, s3;
	s6 =	simm.s32 @!p1 $0x1082;
	[sflag:s4] =	ssyncset.s32 $0xFFFFF086  }
0x25: {  	[simem:s6], [sflag:s4] =	dma.local [hbm:s3], $0xF7A  }
0x26: {  	[smem:$0x3F9C] =	sst s1;
	(tag) =	ssettag s2;
	_ =	strace s9  }
0x27: {  	s1 =	sld [smem:$0x3FAC]  }
0x28: {  	s2 =	sld [smem:$0x3FAD]  }
0x29: {  	s4 =	sld [smem:$0x3FAF]  }
0x2a: {  	p0 =	seq.s32 s5, $0x0;
	s5 =	sld [smem:$0x3FB0]  }
0x2b: {  	s6 =	sld [smem:$0x3FB1]  }
0x2c: {  	s7 =	sld [smem:$0x3FB2]  }
0x2d: {  	s3 =	simm.s32 $0x108;
	s8 =	sld [smem:$0x3FB3]  }
0x2e: {  	s3 =	simm.s32 @!p0 $0x1082;
	s9 =	sld [smem:$0x3FB4]  }
0x2f: {  	lr =	sadd.s32 s0, s3;
	s0 =	sld [smem:$0x3FAB]  }
0x30: {  	s3 =	sld [smem:$0x3FAE]  }
0x31: {  	[smem:$0x3FB7] =	sst s10  }
0x32: {  	s10 =	sld [smem:$0x3FB5];
	_ =	sdelay $0x3  }
0x33: {  	p0 =	seq.s32 s10, $0x1;
	s10 =	sld [smem:$0x3FB7];
	_ =	sdelay $0x3  }
0x34: {  	[smem:$0x3FB7] =	sst s10  }
0x35: {  	s10 =	sld [smem:$0x3FB6];
	_ =	sdelay $0x3  }
0x36: {  	p1 =	seq.s32 s10, $0x1;
	s10 =	sld [smem:$0x3FB7];
	_ =	sdelay $0x3  }
0x37: {  	[smem:$0x3FB7] =	sst s10  }
0x38: {  	s10 =	sld [smem:$0x3FB8]  }
0x39: {  	_ = 	snop;
	(pc) =	sbr.ind lr, $3  }
0x3a: {  	_ = 	snop  }
0x3b: {  	_ = 	snop  }
0x3c: {  	p2 =	seq.s32 s10, $0x1;
	s10 =	sld [smem:$0x3FB7]  }
0x3d: {  	_ =	shalt  }
0x3e: {  	_ =	shalt  }
0x3f: {  	_ =	shalt  }
0x40: {  	_ =	shalt  }
0x41: {  	_ =	shalt  }
0x42: {  	_ =	shalt  }
0x43: {  	_ =	shalt  }
0x44: {  	_ =	shalt  }
0x45: {  	_ =	shalt  }
0x46: {  	_ =	shalt  }
0x47: {  	_ =	shalt  }
0x48: {  	_ =	shalt  }
0x49: {  	_ =	shalt  }
0x4a: {  	_ =	shalt  }
0x4b: {  	_ =	shalt  }
0x4c: {  	_ =	shalt  }
0x4d: {  	_ =	shalt  }
0x4e: {  	_ =	shalt  }
0x4f: {  	_ =	shalt  }
0x50: {  	_ =	shalt  }
0x51: {  	_ =	shalt  }
0x52: {  	_ =	shalt  }
0x53: {  	_ =	shalt  }
0x54: {  	_ =	shalt  }
0x55: {  	_ =	shalt  }
0x56: {  	_ =	shalt  }
0x57: {  	_ =	shalt  }
0x58: {  	_ =	shalt  }
0x59: {  	_ =	shalt  }
0x5a: {  	_ =	shalt  }
0x5b: {  	_ =	shalt  }
0x5c: {  	_ =	shalt  }
0x5d: {  	_ =	shalt  }
0x5e: {  	_ =	shalt  }
0x5f: {  	_ =	shalt  }
0x60: {  	_ =	shalt  }
0x61: {  	_ =	shalt  }
0x62: {  	_ =	shalt  }
0x63: {  	_ =	shalt  }
0x64: {  	_ =	shalt  }
0x65: {  	_ =	shalt  }
0x66: {  	_ =	shalt  }
0x67: {  	_ =	shalt  }
0x68: {  	_ =	shalt  }
0x69: {  	_ =	shalt  }
0x6a: {  	_ =	shalt  }
0x6b: {  	_ =	shalt  }
0x6c: {  	_ =	shalt  }
0x6d: {  	_ =	shalt  }
0x6e: {  	_ =	shalt  }
0x6f: {  	_ =	shalt  }
0x70: {  	_ =	shalt  }
0x71: {  	_ =	shalt  }
0x72: {  	_ =	shalt  }
0x73: {  	_ =	shalt  }
0x74: {  	_ =	shalt  }
0x75: {  	_ =	shalt  }
0x76: {  	_ =	shalt  }
0x77: {  	_ =	shalt  }
0x78: {  	_ =	shalt  }
0x79: {  	_ =	shalt  }
0x7a: {  	_ =	shalt  }
0x7b: {  	_ =	shalt  }
0x7c: {  	_ =	shalt  }
0x7d: {  	_ =	shalt  }
0x7e: {  	_ =	shalt  }
0x7f: {  	_ =	shalt  }
0x80: {  	_ =	shalt  }
0x81: {  	_ =	shalt  }
0x82: {  	_ =	shalt  }
0x83: {  	_ =	shalt  }
0x84: {  	_ =	shalt  }
0x85: {  	_ =	shalt  }
0x86: {  	_ =	shalt  }
0x87: {  	_ =	shalt  }
.Lfunc_end0:
.L_simem_size_0:
called_computation_lowered:
.L_overlay_start_0:
0x88: {  	s0 =	sld [smem:$0x3FD9]  }
0x89: {  	s1 =	sld [smem:$0x3FFE];
	_ =	sdelay $0x3  }
0x8a: {  	s0 =	sadd.s32 s1, s0  }
0x8b: {  	[smem:$0x3FC3] =	sst s0  }
0x8c: {  	_ = 	snop  }
0x8d: {  	s0 =	sld [smem:$0x3FC8]  }
0x8e: {  	s14 =	sld [smem:$0x3FD0]  }
0x8f: {  	s2 =	sld [smem:$0x3FC7]  }
0x90: {  	s3 =	sld [smem:$0x3FC6]  }
0x91: {  	s5 =	simm.s32 $0xA;
	s6 =	simm.s32 $0x10;
	s4 =	sld [smem:$0x3FC5]  }
0x92: {  	[smem:s6], [sflag:s5] =	dma.local [hbm:s14], $0x1  }
0x93: {  	_ =	swait.eq [sflag:s5], $0x1  }
0x94: {  	[sflag:s5] =	ssyncset.done $0x0  }
0x95: {  	s15 =	sld [smem:$0x11];
	[sflag:s5] =	ssyncadd.s32 $0xFFFFFFFF  }
0x96: {  	s16 =	sld [smem:$0x12];
	(tm) =	ssettm $0x1  }
0x97: {  	s17 =	sld [smem:$0x3FFB];
	_ =	sdelay $0x3  }
0x98: {  	_ =	strace s17  }
0x99: {  	s6 =	sld [smem:$0x3FFC];
	_ =	sdelay $0x3  }
0x9a: {  	_ =	strace s6  }
0x9b: {  	s6 =	sld [smem:$0x3FFD];
	_ =	sdelay $0x3  }
0x9c: {  	_ =	strace s6  }
0x9d: {  	_ =	strace $0x8FFFFFFF  }
0x9e: {  	s18 =	sld [smem:$0x3FDB];
	_ =	sdelay $0x1  }
0x9f: {  	s7 =	simm.s32 $_scs_section_size  }
0xa0: {  	s8 =	simm.s32 $_size__tile_overlayer_lowered;
	s9 =	simm.s32 $_tile_overlayer_lowered  }
0xa1: {  	s21 =	simm.s32 $0x1BFF;
	s20 =	sshll.u32 s9, $0x1;
	s6 =	sadd.s32 s7, s18  }
0xa2: {  	s10 =	simm.s32 $0x0;
	s19 =	sshll.u32 s8, $0x1;
	s8 =	sadd.s32 s20, s6  }
0xa3: {  	[timem:s10], [sflag:s21] =	dma.local [hbm:s8], s19  }
0xa4: {  	_ =	swait.ge [sflag:s21], s19  }
0xa5: {  	s7 =	ssub.s32 $0x0, s19;
	[sflag:s21] =	ssyncset.done $0x0  }
0xa6: {  	[sflag:s21] =	ssyncadd.s32 s7;
	_ =	sdelay $0x1  }
0xa7: {  	s22 =	simm.s32 $0x1B8B  }
0xa8: {  	_ =	swait.ge [sflag:s22], $0x1  }
0xa9: {  	[sflag:s22] =	ssyncset.done $0x0  }
0xaa: {  	s23 =	simm.s32 $0x1B8E;
	[sflag:s22] =	ssyncadd.s32 $0xFFFFFFFF  }
0xab: {  	s24 =	simm.s32 $execute0_lowered;
	[smem:$0x3FD2] =	sst s23  }
0xac: {  	s7 =	sshll.u32 s24, $0x1;
	_ =	strace $0x80000046;
	[dreg:$0x1] =	wrdreg $0xFFFFFFFF  }
0xad: {  	s25 =	simm.s32 $_size_execute0_lowered;
	s6 =	sadd.s32 s6, s7;
	[dreg:$0x0] =	wrdreg $0x0  }
0xae: {  	s7 =	sshll.u32 s25, $0x1;
	[dreg:$0x2] =	wrdreg s6  }
0xaf: {  	[dreg:$0x3] =	wrdreg s7  }
0xb0: {  	[dreg:$0x4] =	wrdreg $0xC0  }
0xb1: {  	_ =	task [dreg:s10], $0x5FFFF  }
0xb2: {  	[dreg:$0x1] =	wrdreg $0xFFFFFFFF  }
0xb3: {  	[dreg:$0x0] =	wrdreg $0x60  }
0xb4: {  	[dreg:$0x2] =	wrdreg s3  }
0xb5: {  	[dreg:$0x3] =	wrdreg s0  }
0xb6: {  	[dreg:$0x4] =	wrdreg s4  }
0xb7: {  	[dreg:$0x5] =	wrdreg s2  }
0xb8: {  	[dreg:$0x6] =	wrdreg s16  }
0xb9: {  	[dreg:$0x7] =	wrdreg s15  }
0xba: {  	[dreg:$0x8] =	wrdreg $0x9  }
0xbb: {  	_ =	task.clear_ibuf [dreg:s10], $0x9FFFF;
	_ =	strace $0x90000046  }
0xbc: {  	s26 =	simm.s32 $0x9;
	_ =	strace $0x80000048  }
0xbd: {  	_ =	swait.ge [sflag:s26], $0x1  }
0xbe: {  	[sflag:s26] =	ssyncadd.s32 $0xFFFFFFFF  }
0xbf: {  	_ =	strace $0x90000048  }
0xc0: {  	_ =	sfence  }
0xc1: {  	s28 =	sld [smem:$0x0];
	_ =	sdelay $0x1  }
0xc2: {  	s29 =	srdreg.scid  }
0xc3: {  	s30 =	sshll.u32 s29, $0xD;
	s31 =	sshrl.u32 s29, $0x2  }
0xc4: {  	s1 =	sand.u32 $0x1, s29;
	s2 =	sand.u32 $0x4000, s30;
	s0 =	sadd.s32 s31, s28  }
0xc5: {  	s1 =	sor.u32 s2, s1;
	s0 =	sshll.u32 s0, $0x11  }
0xc6: {  	s0 =	sor.u32 s0, s1  }
0xc7: {  	s0 =	sadd.s32 $0x8F2B, s0  }
0xc8: {  	[sflag:s0] =	ssyncadd.remote.s32 $0x1  }
0xc9: {  	_ =	sfence.sel $0xFFFF  }
0xca: {  	[dreg:$0x0] =	wrdreg $0xFFFFFFFF;
	(pc) =	sbr.abs _section_cstart, $3  }
0xcb: {  	[dreg:$0x1] =	wrdreg $0xFFFFFFFF  }
0xcc: {  	_ =	task.clear_ibuf [dreg:s10], $0x2FFFF;
	_ =	strace $0x9FFFFFFF  }
0xcd: {  	(tm) =	ssettm $0x7FFFFFFF  }
tec
execute0_lowered:
.L_overlay_start_1:
0x0: {  	(tag) =	ssettag $0x1  }
0x1: {  	s6 =	rddreg [dreg:$0x0]  }
0x2: {  	s8 =	rddreg [dreg:$0x1]  }
0x3: {  	s11 =	rddreg [dreg:$0x2]  }
0x4: {  	s12 =	rddreg [dreg:$0x3];
	s1 =	stileid.u32  }
0x5: {  	s3 =	rddreg [dreg:$0x4];
	s9 =	sshrl.u32 s1, $0x3;
	s5 =	sshll.u32 s1, $0x7  }
0x6: {  	s2 =	rddreg [dreg:$0x5];
	s10 =	sand.u32 $0x380, s5;
	s22 =	sshll.u32 s9, $0xD  }
0x7: {  	s0 =	rddreg [dreg:$0x6];
	s4 =	simm.s32 $0x0;
	s5 =	sor.u32 s10, s22  }
0x8: {  	s23 =	simm.s32 $0x80;
	[smem:$0x7FF] =	sst s4;
	s5 =	sshrl.u32 s5, $0x3  }
0x9: {  	s7 =	simm.s32 $0x400;
	_ =	strace $0x80000047;
	s13 =	sadd.s32 s6, s5  }
0xa: {  	[tilespmem:s4], [sflag:$0x1] =	stream.strided.gather [hbm4b:s13+s23], $0x400, s7, s23, $0x38;
	[tilespmem:$0x1100] =	vst v63  }
0xb: {  	_ = 	snop  }
0xc: {  	[tilespmem:s7], [sflag:$0x1] =	stream.linear.gather [hbm4b:s11+s4], $0x400, $0x38;
	[tilespmem:$0x1100] =	vst v63  }
0xd: {  	s24 =	simm.s32 $0x800;
	s8 =	sadd.s32 s8, s5  }
0xe: {  	[tilespmem:s24], [sflag:$0x1] =	stream.strided.gather [hbm4b:s8+s23], $0x400, s7, s23, $0x38;
	[tilespmem:$0x1100] =	vst v63  }
0xf: {  	s25 =	simm.s32 $0x1080;
	s26 =	simm.s32 $0x1  }
0x10: {  	[tilespmem:s25], [sflag:$0x1] =	stream.linear.gather [hbm4b:s12+s4], $0x80, $0x38;
	[tilespmem:$0x1100] =	vst v63  }
0x11: {  	_ =	swait.ge [sflag:s26], $0x400  }
0x12: {  	[sflag:s26] =	ssyncset.done $0x0  }
0x13: {  	[sflag:s26] =	ssyncadd.s32 $0xFFFFFC00  }
0x14: {  	_ =	swait.ge [sflag:s26], $0x400  }
0x15: {  	[sflag:s26] =	ssyncset.done $0x0  }
0x16: {  	[sflag:s26] =	ssyncadd.s32 $0xFFFFFC00  }
0x17: {  	_ =	swait.ge [sflag:s26], $0x400  }
0x18: {  	[sflag:s26] =	ssyncset.done $0x0  }
0x19: {  	[sflag:s26] =	ssyncadd.s32 $0xFFFFFC00  }
0x1a: {  	_ =	swait.ge [sflag:s26], $0x80  }
0x1b: {  	[sflag:s26] =	ssyncset.done $0x0  }
0x1c: {  	[sflag:s26] =	ssyncadd.s32 $0xFFFFFF80  }
0x1d: {  	v0 =	vld [tilespmem:$0x0]  }
0x1e: {  	v1 =	vld [tilespmem:$0x400]  }
0x1f: {  	v2 =	vld [tilespmem:$0x10]  }
0x20: {  	v3 =	vld [tilespmem:$0x410]  }
0x21: {  	v4 =	vld [tilespmem:$0x20]  }
0x22: {  	v5 =	vld [tilespmem:$0x420]  }
0x23: {  	v28 =	vld [tilespmem:$0x30];
	v0 =	vmul.f32 v1, v0  }
0x24: {  	v6 =	vld [tilespmem:$0x430]  }
0x25: {  	v29 =	vld [tilespmem:$0x40];
	v2 =	vmul.f32 v3, v2;
	v0 =	vadd.f32 $0.0e+00, v0  }
0x26: {  	v7 =	vld [tilespmem:$0x440]  }
0x27: {  	v31 =	vld [tilespmem:$0x50];
	v30 =	vmul.f32 v5, v4;
	v0 =	vadd.f32 v2, v0  }
0x28: {  	v32 =	vld [tilespmem:$0x450]  }
0x29: {  	v33 =	vld [tilespmem:$0x60];
	v1 =	vmul.f32 v6, v28;
	v0 =	vadd.f32 v30, v0  }
0x2a: {  	v34 =	vld [tilespmem:$0x460]  }
0x2b: {  	v36 =	vld [tilespmem:$0x70];
	v35 =	vmul.f32 v7, v29;
	v0 =	vadd.f32 v1, v0  }
0x2c: {  	v37 =	vld [tilespmem:$0x470]  }
0x2d: {  	v39 =	vld [tilespmem:$0x80];
	v38 =	vmul.f32 v32, v31;
	v0 =	vadd.f32 v35, v0  }
0x2e: {  	v40 =	vld [tilespmem:$0x480]  }
0x2f: {  	v42 =	vld [tilespmem:$0x90];
	v41 =	vmul.f32 v34, v33;
	v0 =	vadd.f32 v38, v0  }
0x30: {  	v43 =	vld [tilespmem:$0x490]  }
0x31: {  	v45 =	vld [tilespmem:$0xA0];
	v44 =	vmul.f32 v37, v36;
	v0 =	vadd.f32 v41, v0  }
0x32: {  	v46 =	vld [tilespmem:$0x4A0]  }
0x33: {  	v48 =	vld [tilespmem:$0xB0];
	v47 =	vmul.f32 v40, v39;
	v0 =	vadd.f32 v44, v0  }
0x34: {  	v49 =	vld [tilespmem:$0x4B0]  }
0x35: {  	v51 =	vld [tilespmem:$0xC0];
	v50 =	vmul.f32 v43, v42;
	v0 =	vadd.f32 v47, v0  }
0x36: {  	v52 =	vld [tilespmem:$0x4C0]  }
0x37: {  	v54 =	vld [tilespmem:$0xD0];
	v53 =	vmul.f32 v46, v45;
	v0 =	vadd.f32 v50, v0  }
0x38: {  	v55 =	vld [tilespmem:$0x4D0]  }
0x39: {  	v57 =	vld [tilespmem:$0xE0];
	v56 =	vmul.f32 v49, v48;
	v0 =	vadd.f32 v53, v0  }
0x3a: {  	v58 =	vld [tilespmem:$0x4E0]  }
0x3b: {  	v60 =	vld [tilespmem:$0xF0];
	v59 =	vmul.f32 v52, v51;
	v0 =	vadd.f32 v56, v0  }
0x3c: {  	v61 =	vld [tilespmem:$0x4F0]  }
0x3d: {  	v63 =	vld [tilespmem:$0x100];
	v62 =	vmul.f32 v55, v54;
	v0 =	vadd.f32 v59, v0  }
0x3e: {  	v9 =	vld [tilespmem:$0x500]  }
0x3f: {  	v11 =	vld [tilespmem:$0x110];
	v10 =	vmul.f32 v58, v57;
	v0 =	vadd.f32 v62, v0  }
0x40: {  	v12 =	vld [tilespmem:$0x510]  }
0x41: {  	v14 =	vld [tilespmem:$0x120];
	v13 =	vmul.f32 v61, v60;
	v0 =	vadd.f32 v10, v0  }
0x42: {  	v15 =	vld [tilespmem:$0x520]  }
0x43: {  	v17 =	vld [tilespmem:$0x130];
	v16 =	vmul.f32 v9, v63;
	v0 =	vadd.f32 v13, v0  }
0x44: {  	v18 =	vld [tilespmem:$0x530]  }
0x45: {  	v20 =	vld [tilespmem:$0x140];
	v19 =	vmul.f32 v12, v11;
	v0 =	vadd.f32 v16, v0  }
0x46: {  	v21 =	vld [tilespmem:$0x540]  }
0x47: {  	v23 =	vld [tilespmem:$0x150];
	v22 =	vmul.f32 v15, v14;
	v0 =	vadd.f32 v19, v0  }
0x48: {  	v24 =	vld [tilespmem:$0x550]  }
0x49: {  	v26 =	vld [tilespmem:$0x160];
	v25 =	vmul.f32 v18, v17;
	v0 =	vadd.f32 v22, v0  }
0x4a: {  	v27 =	vld [tilespmem:$0x560]  }
0x4b: {  	v28 =	vmul.f32 v21, v20;
	v29 =	vld [tilespmem:$0x170];
	v0 =	vadd.f32 v25, v0  }
0x4c: {  	v30 =	vld [tilespmem:$0x570]  }
0x4d: {  	v31 =	vmul.f32 v24, v23;
	v32 =	vld [tilespmem:$0x180];
	v0 =	vadd.f32 v28, v0  }
0x4e: {  	v33 =	vld [tilespmem:$0x580]  }
0x4f: {  	v34 =	vmul.f32 v27, v26;
	v36 =	vld [tilespmem:$0x590];
	v0 =	vadd.f32 v31, v0  }
0x50: {  	v35 =	vld [tilespmem:$0x190]  }
0x51: {  	v39 =	vld [tilespmem:$0x5A0];
	v37 =	vmul.f32 v30, v29;
	v0 =	vadd.f32 v34, v0  }
0x52: {  	v38 =	vld [tilespmem:$0x1A0]  }
0x53: {  	v42 =	vld [tilespmem:$0x5B0];
	v40 =	vmul.f32 v33, v32;
	v0 =	vadd.f32 v37, v0  }
0x54: {  	v41 =	vld [tilespmem:$0x1B0]  }
0x55: {  	v45 =	vld [tilespmem:$0x5C0];
	v43 =	vmul.f32 v36, v35;
	v0 =	vadd.f32 v40, v0  }
0x56: {  	v44 =	vld [tilespmem:$0x1C0]  }
0x57: {  	v48 =	vld [tilespmem:$0x5D0];
	v46 =	vmul.f32 v39, v38;
	v0 =	vadd.f32 v43, v0  }
0x58: {  	v47 =	vld [tilespmem:$0x1D0]  }
0x59: {  	v51 =	vld [tilespmem:$0x5E0];
	v49 =	vmul.f32 v42, v41;
	v0 =	vadd.f32 v46, v0  }
0x5a: {  	v50 =	vld [tilespmem:$0x1E0]  }
0x5b: {  	v54 =	vld [tilespmem:$0x5F0];
	v52 =	vmul.f32 v45, v44;
	v0 =	vadd.f32 v49, v0  }
0x5c: {  	v53 =	vld [tilespmem:$0x1F0]  }
0x5d: {  	v57 =	vld [tilespmem:$0x600];
	v55 =	vmul.f32 v48, v47;
	v0 =	vadd.f32 v52, v0  }
0x5e: {  	v56 =	vld [tilespmem:$0x200]  }
0x5f: {  	v60 =	vld [tilespmem:$0x610];
	v58 =	vmul.f32 v51, v50;
	v0 =	vadd.f32 v55, v0  }
0x60: {  	v59 =	vld [tilespmem:$0x210]  }
0x61: {  	v63 =	vld [tilespmem:$0x620];
	v61 =	vmul.f32 v54, v53;
	v0 =	vadd.f32 v58, v0  }
0x62: {  	v62 =	vld [tilespmem:$0x220]  }
0x63: {  	v9 =	vld [tilespmem:$0x230];
	v8 =	vmul.f32 v57, v56;
	v0 =	vadd.f32 v61, v0  }
0x64: {  	v10 =	vld [tilespmem:$0x630]  }
0x65: {  	v12 =	vld [tilespmem:$0x240];
	v11 =	vmul.f32 v60, v59;
	v0 =	vadd.f32 v8, v0  }
0x66: {  	v13 =	vld [tilespmem:$0x640]  }
0x67: {  	v15 =	vld [tilespmem:$0x250];
	v14 =	vmul.f32 v63, v62;
	v0 =	vadd.f32 v11, v0  }
0x68: {  	v16 =	vld [tilespmem:$0x650]  }
0x69: {  	v18 =	vld [tilespmem:$0x260];
	v17 =	vmul.f32 v10, v9;
	v0 =	vadd.f32 v14, v0  }
0x6a: {  	v19 =	vld [tilespmem:$0x660]  }
0x6b: {  	v21 =	vld [tilespmem:$0x270];
	v20 =	vmul.f32 v13, v12;
	v0 =	vadd.f32 v17, v0  }
0x6c: {  	v22 =	vld [tilespmem:$0x670]  }
0x6d: {  	v24 =	vld [tilespmem:$0x280];
	v23 =	vmul.f32 v16, v15;
	v0 =	vadd.f32 v20, v0  }
0x6e: {  	v25 =	vld [tilespmem:$0x680]  }
0x6f: {  	v27 =	vld [tilespmem:$0x290];
	v26 =	vmul.f32 v19, v18;
	v0 =	vadd.f32 v23, v0  }
0x70: {  	v28 =	vld [tilespmem:$0x690]  }
0x71: {  	v30 =	vld [tilespmem:$0x2A0];
	v29 =	vmul.f32 v22, v21;
	v0 =	vadd.f32 v26, v0  }
0x72: {  	v31 =	vld [tilespmem:$0x6A0]  }
0x73: {  	v33 =	vld [tilespmem:$0x2B0];
	v32 =	vmul.f32 v25, v24;
	v0 =	vadd.f32 v29, v0  }
0x74: {  	v34 =	vld [tilespmem:$0x6B0]  }
0x75: {  	v36 =	vld [tilespmem:$0x2C0];
	v35 =	vmul.f32 v28, v27;
	v0 =	vadd.f32 v32, v0  }
0x76: {  	v37 =	vld [tilespmem:$0x6C0]  }
0x77: {  	v39 =	vld [tilespmem:$0x2D0];
	v38 =	vmul.f32 v31, v30;
	v0 =	vadd.f32 v35, v0  }
0x78: {  	v40 =	vld [tilespmem:$0x6D0]  }
0x79: {  	v42 =	vld [tilespmem:$0x2E0];
	v41 =	vmul.f32 v34, v33;
	v0 =	vadd.f32 v38, v0  }
0x7a: {  	v43 =	vld [tilespmem:$0x6E0]  }
0x7b: {  	v45 =	vld [tilespmem:$0x2F0];
	v44 =	vmul.f32 v37, v36;
	v0 =	vadd.f32 v41, v0  }
0x7c: {  	v46 =	vld [tilespmem:$0x6F0]  }
0x7d: {  	v48 =	vld [tilespmem:$0x300];
	v47 =	vmul.f32 v40, v39;
	v0 =	vadd.f32 v44, v0  }
0x7e: {  	v49 =	vld [tilespmem:$0x700]  }
0x7f: {  	v51 =	vld [tilespmem:$0x310];
	v50 =	vmul.f32 v43, v42;
	v0 =	vadd.f32 v47, v0  }
0x80: {  	v52 =	vld [tilespmem:$0x710]  }
0x81: {  	v54 =	vld [tilespmem:$0x320];
	v53 =	vmul.f32 v46, v45;
	v0 =	vadd.f32 v50, v0  }
0x82: {  	v55 =	vld [tilespmem:$0x720]  }
0x83: {  	v57 =	vld [tilespmem:$0x330];
	v56 =	vmul.f32 v49, v48;
	v0 =	vadd.f32 v53, v0  }
0x84: {  	v58 =	vld [tilespmem:$0x730]  }
0x85: {  	v60 =	vld [tilespmem:$0x340];
	v59 =	vmul.f32 v52, v51;
	v0 =	vadd.f32 v56, v0  }
0x86: {  	v61 =	vld [tilespmem:$0x740]  }
0x87: {  	v63 =	vld [tilespmem:$0x350];
	v62 =	vmul.f32 v55, v54;
	v0 =	vadd.f32 v59, v0  }
0x88: {  	v9 =	vld [tilespmem:$0x750]  }
0x89: {  	v12 =	vld [tilespmem:$0x760];
	v10 =	vmul.f32 v58, v57;
	v0 =	vadd.f32 v62, v0  }
0x8a: {  	v11 =	vld [tilespmem:$0x360]  }
0x8b: {  	v16 =	vld [tilespmem:$0x770];
	v13 =	vmul.f32 v61, v60;
	v0 =	vadd.f32 v10, v0  }
0x8c: {  	v14 =	vld [tilespmem:$0x370]  }
0x8d: {  	v15 =	vmul.f32 v9, v63;
	v18 =	vld [tilespmem:$0x380];
	v0 =	vadd.f32 v13, v0  }
0x8e: {  	v20 =	vld [tilespmem:$0x780]  }
0x8f: {  	v21 =	vld [tilespmem:$0x390];
	v19 =	vmul.f32 v12, v11;
	v0 =	vadd.f32 v15, v0  }
0x90: {  	v22 =	vld [tilespmem:$0x790]  }
0x91: {  	v24 =	vld [tilespmem:$0x3A0];
	v3 =	vmul.f32 v16, v14;
	v0 =	vadd.f32 v19, v0  }
0x92: {  	vm0 =	vcmask $0x300;
	vm14 =	vcmask $0x704;
	v25 =	vld [tilespmem:$0x7A0];
	v17 =	vimm.f32 $1.500000000e+01  }
0x93: {  	v27 =	vld [tilespmem:$0x7B0];
	v5 =	vsel vm0, $0x0, v17;
	v2 =	vmul.f32 v20, v18;
	v0 =	vadd.f32 v3, v0  }
0x94: {  	vm15 =	vcmask $0xB08;
	vm4 =	vcmask $0xF0C;
	v5 =	vsel vm14, $0x3F800000, v5;
	v26 =	vld [tilespmem:$0x3B0]  }
0x95: {  	v28 =	vld [tilespmem:$0x3C0];
	v1 =	vmul.f32 v22, v21;
	v5 =	vsel vm15, $0x40000000, v5;
	v0 =	vadd.f32 v2, v0  }
0x96: {  	vm5 =	vcmask $0x1310;
	vm6 =	vcmask $0x1714;
	v23 =	vsel vm4, $0x40400000, v5;
	v29 =	vld [tilespmem:$0x7C0]  }
0x97: {  	v30 =	vld [tilespmem:$0x3D0];
	v4 =	vsel vm5, $0x40800000, v23;
	v3 =	vmul.f32 v25, v24;
	v0 =	vadd.f32 v1, v0  }
0x98: {  	vm7 =	vcmask $0x1B18;
	vm8 =	vcmask $0x1F1C;
	v31 =	vld [tilespmem:$0x7D0];
	v4 =	vsel vm6, $0x40A00000, v4  }
0x99: {  	v33 =	vld [tilespmem:$0x7E0];
	v4 =	vsel vm7, $0x40C00000, v4;
	v2 =	vmul.f32 v27, v26;
	v0 =	vadd.f32 v3, v0  }
0x9a: {  	vm9 =	vcmask $0x2320;
	vm10 =	vcmask $0x2724;
	v4 =	vsel vm8, $0x40E00000, v4;
	v32 =	vld [tilespmem:$0x3E0]  }
0x9b: {  	v34 =	vld [tilespmem:$0x3F0];
	v4 =	vsel vm9, $0x41000000, v4;
	v1 =	vmul.f32 v29, v28;
	v0 =	vadd.f32 v2, v0  }
0x9c: {  	vm11 =	vcmask $0x2B28;
	vm1 =	vcmask $0x2F2C;
	v4 =	vsel vm10, $0x41100000, v4;
	v35 =	vld [tilespmem:$0x7F0]  }
0x9d: {  	v36 =	vld [tilespmem:$0x1080];
	v4 =	vsel vm11, $0x41200000, v4;
	v3 =	vmul.f32 v31, v30;
	v0 =	vadd.f32 v1, v0  }
0x9e: {  	vm12 =	vcmask $0x3330;
	vm13 =	vcmask $0x3734;
	s28 =	scvt.s32.f32 s1;
	v4 =	vsel vm1, $0x41300000, v4  }
0x9f: {  	v4 =	vsel vm12, $0x41400000, v4;
	v2 =	vmul.f32 v33, v32;
	v0 =	vadd.f32 v3, v0  }
0xa0: {  	vm14 =	vcmask $0x3B38;
	v4 =	vsel vm13, $0x41500000, v4;
	v38 =	vmov s28  }
0xa1: {  	v37 =	vsel vm14, $0x41600000, v4;
	v1 =	vmul.f32 v35, v34;
	v0 =	vadd.f32 v2, v0  }
0xa2: {  	v39 =	vimm.s32 $0x0;
	v40 =	vcvt.s32.f32 v36;
	vm1 =	veq.f32 v38, v37  }
0xa3: {  	v41 =	vsel vm1, $0x3F800000, v39;
	v0 =	vadd.f32 v1, v0  }
0xa4: {  	v42 =	vmul.f32 v40, v41  }
0xa5: {  	(xrf2) =	vadd.scan.msk.f32 $0xffff, v0  }
0xa6: {  	(xrf2) =	vadd.scan.msk.f32 $0xffff, v42;
	_ =	sdelay $0x8  }
0xa7: {  	v0, _, _ =	vpop (xrf2)  }
0xa8: {  	v1, _, _ =	vpop (xrf2)  }
0xa9: {  	(v2sf) =	vpush v1, $0xF;
	_ =	sdelay $0x6  }
0xaa: {  	v0 =	vbroadcast v0, $0xF;
	_ =	sdelay $0x1  }
0xab: {  	v0 =	vnsel vm11, $0x0, v0  }
0xac: {  	v0 =	vmul.f32 $1.442695020e+00, v0;
	_ =	sdelay $0x1  }
0xad: {  	(erf) = vpow2.f32 v0;
	_ =	sdelay $0x2  }
0xae: {  	s29 =	spop (v2sf)  }
0xaf: {  	s11 =	ssub.f32 $1.100000000e+01, s29;
	_ =	sdelay $0x1  }
0xb0: {  	v43 =	vmov s11  }
0xb1: {  	vm2 =	vmmov $0x7ff;
	vm15 =	vle.f32 v43, v37  }
0xb2: {  	vm1 =	vmand vm15, vm2  }
0xb3: {  	v44 =	vpop (erf);
	v45 =	vsel vm1, $0x3F800000, v39  }
0xb4: {  	v0 =	vmul.f32 v45, v44;
	_ =	sdelay $0x1  }
0xb5: {  	(xrf2) =	vadd.scan.msk.f32 $0xffff, v0;
	_ =	sdelay $0x9  }
0xb6: {  	v46, _, _ =	vpop (xrf2)  }
0xb7: {  	v1 =	vbroadcast v46, $0xF;
	_ =	sdelay $0x1  }
0xb8: {  	(erf) = vrcp.f32 v1;
	_ =	sdelay $0x8  }
0xb9: {  	v1 =	vpop (erf)  }
0xba: {  	v47 =	vimm.f32 $0.0e+00;
	v1 =	vmul.f32 v1, v0  }
0xbb: {  	v0 =	vsel vm11, $0x3F800000, v47  }
0xbc: {  	v0 =	vmul.f32 v0, v1;
	_ =	sdelay $0x1  }
0xbd: {  	(xrf2) =	vadd.scan.msk.f32 $0xffff, v0;
	_ =	sdelay $0x7  }
0xbe: {  	v48 =	vld [tilespmem:$0x800]  }
0xbf: {  	v49 =	vld [tilespmem:$0x810]  }
0xc0: {  	v50 =	vld [tilespmem:$0x820];
	v0, _, _ =	vpop (xrf2)  }
0xc1: {  	v51 =	vld [tilespmem:$0x830];
	v0 =	vbroadcast v0, $0xF  }
0xc2: {  	v52 =	vld [tilespmem:$0x840]  }
0xc3: {  	v53 =	vld [tilespmem:$0x850];
	v2 =	vmul.f32 v0, v48  }
0xc4: {  	v55 =	vld [tilespmem:$0x860];
	[tilespmem:$0x1000] =	vst v1;
	v54 =	vmul.f32 v0, v49  }
0xc5: {  	v57 =	vld [tilespmem:$0x870];
	v56 =	vmul.f32 v0, v50;
	[tilespmem:$0xC00] =	vst v2  }
0xc6: {  	v59 =	vld [tilespmem:$0x880];
	v58 =	vmul.f32 v0, v51;
	[tilespmem:$0xC10] =	vst v54  }
0xc7: {  	v61 =	vld [tilespmem:$0x890];
	v60 =	vmul.f32 v0, v52;
	[tilespmem:$0xC20] =	vst v56  }
0xc8: {  	v63 =	vld [tilespmem:$0x8A0];
	v62 =	vmul.f32 v0, v53;
	[tilespmem:$0xC30] =	vst v58  }
0xc9: {  	v10 =	vld [tilespmem:$0x8B0];
	v9 =	vmul.f32 v0, v55;
	[tilespmem:$0xC40] =	vst v60  }
0xca: {  	v12 =	vld [tilespmem:$0x8C0];
	v11 =	vmul.f32 v0, v57;
	[tilespmem:$0xC50] =	vst v62  }
0xcb: {  	v14 =	vld [tilespmem:$0x8D0];
	v13 =	vmul.f32 v0, v59;
	[tilespmem:$0xC60] =	vst v9  }
0xcc: {  	v16 =	vld [tilespmem:$0x8E0];
	v15 =	vmul.f32 v0, v61;
	[tilespmem:$0xC70] =	vst v11  }
0xcd: {  	v18 =	vld [tilespmem:$0x8F0];
	v17 =	vmul.f32 v63, v0;
	[tilespmem:$0xC80] =	vst v13  }
0xce: {  	v20 =	vld [tilespmem:$0x900];
	v19 =	vmul.f32 v10, v0;
	[tilespmem:$0xC90] =	vst v15  }
0xcf: {  	v22 =	vld [tilespmem:$0x910];
	v21 =	vmul.f32 v12, v0;
	[tilespmem:$0xCA0] =	vst v17  }
0xd0: {  	v24 =	vld [tilespmem:$0x920];
	v23 =	vmul.f32 v14, v0;
	[tilespmem:$0xCB0] =	vst v19  }
0xd1: {  	v26 =	vld [tilespmem:$0x930];
	v25 =	vmul.f32 v16, v0;
	[tilespmem:$0xCC0] =	vst v21  }
0xd2: {  	v28 =	vld [tilespmem:$0x940];
	v27 =	vmul.f32 v18, v0;
	[tilespmem:$0xCD0] =	vst v23  }
0xd3: {  	v30 =	vld [tilespmem:$0x950];
	v29 =	vmul.f32 v20, v0;
	[tilespmem:$0xCE0] =	vst v25  }
0xd4: {  	v32 =	vld [tilespmem:$0x960];
	v31 =	vmul.f32 v22, v0;
	[tilespmem:$0xCF0] =	vst v27  }
0xd5: {  	v34 =	vld [tilespmem:$0x970];
	v33 =	vmul.f32 v24, v0;
	[tilespmem:$0xD00] =	vst v29  }
0xd6: {  	v36 =	vld [tilespmem:$0x980];
	v35 =	vmul.f32 v26, v0;
	[tilespmem:$0xD10] =	vst v31  }
0xd7: {  	v38 =	vld [tilespmem:$0x990];
	v37 =	vmul.f32 v28, v0;
	[tilespmem:$0xD20] =	vst v33  }
0xd8: {  	v40 =	vld [tilespmem:$0x9A0];
	v39 =	vmul.f32 v30, v0;
	[tilespmem:$0xD30] =	vst v35  }
0xd9: {  	v42 =	vld [tilespmem:$0x9B0];
	v41 =	vmul.f32 v32, v0;
	[tilespmem:$0xD40] =	vst v37  }
0xda: {  	v44 =	vld [tilespmem:$0x9C0];
	v43 =	vmul.f32 v34, v0;
	[tilespmem:$0xD50] =	vst v39  }
0xdb: {  	v46 =	vld [tilespmem:$0x9D0];
	v45 =	vmul.f32 v36, v0;
	[tilespmem:$0xD60] =	vst v41  }
0xdc: {  	v47 =	vmul.f32 v38, v0;
	v48 =	vld [tilespmem:$0x9E0];
	[tilespmem:$0xD70] =	vst v43  }
0xdd: {  	v49 =	vmul.f32 v40, v0;
	v50 =	vld [tilespmem:$0x9F0];
	[tilespmem:$0xD80] =	vst v45  }
0xde: {  	v51 =	vmul.f32 v42, v0;
	v52 =	vld [tilespmem:$0xA00];
	[tilespmem:$0xD90] =	vst v47  }
0xdf: {  	v53 =	vmul.f32 v44, v0;
	[tilespmem:$0xDA0] =	vst v49;
	v54 =	vld [tilespmem:$0xA10]  }
0xe0: {  	v55 =	vmul.f32 v46, v0;
	[tilespmem:$0xDB0] =	vst v51;
	v56 =	vld [tilespmem:$0xA20]  }
0xe1: {  	[tilespmem:$0xDC0] =	vst v53;
	v58 =	vld [tilespmem:$0xA30];
	v57 =	vmul.f32 v48, v0  }
0xe2: {  	[tilespmem:$0xDD0] =	vst v55;
	v60 =	vld [tilespmem:$0xA40];
	v59 =	vmul.f32 v50, v0  }
0xe3: {  	v62 =	vld [tilespmem:$0xA50];
	v61 =	vmul.f32 v52, v0;
	[tilespmem:$0xDE0] =	vst v57  }
0xe4: {  	v9 =	vld [tilespmem:$0xA60];
	[tilespmem:$0xDF0] =	vst v59;
	v63 =	vmul.f32 v54, v0  }
0xe5: {  	v11 =	vld [tilespmem:$0xA70];
	[tilespmem:$0xE00] =	vst v61;
	v10 =	vmul.f32 v56, v0  }
0xe6: {  	v13 =	vld [tilespmem:$0xA80];
	v12 =	vmul.f32 v58, v0;
	[tilespmem:$0xE10] =	vst v63  }
0xe7: {  	v15 =	vld [tilespmem:$0xA90];
	v14 =	vmul.f32 v60, v0;
	[tilespmem:$0xE20] =	vst v10  }
0xe8: {  	v17 =	vld [tilespmem:$0xAA0];
	v16 =	vmul.f32 v62, v0;
	[tilespmem:$0xE30] =	vst v12  }
0xe9: {  	v19 =	vld [tilespmem:$0xAB0];
	v18 =	vmul.f32 v9, v0;
	[tilespmem:$0xE40] =	vst v14  }
0xea: {  	v21 =	vld [tilespmem:$0xAC0];
	v20 =	vmul.f32 v11, v0;
	[tilespmem:$0xE50] =	vst v16  }
0xeb: {  	v23 =	vld [tilespmem:$0xAD0];
	v22 =	vmul.f32 v13, v0;
	[tilespmem:$0xE60] =	vst v18  }
0xec: {  	v25 =	vld [tilespmem:$0xAE0];
	v24 =	vmul.f32 v15, v0;
	[tilespmem:$0xE70] =	vst v20  }
0xed: {  	v27 =	vld [tilespmem:$0xAF0];
	v26 =	vmul.f32 v17, v0;
	[tilespmem:$0xE80] =	vst v22  }
0xee: {  	v29 =	vld [tilespmem:$0xB00];
	v28 =	vmul.f32 v19, v0;
	[tilespmem:$0xE90] =	vst v24  }
0xef: {  	v31 =	vld [tilespmem:$0xB10];
	v30 =	vmul.f32 v21, v0;
	[tilespmem:$0xEA0] =	vst v26  }
0xf0: {  	v33 =	vld [tilespmem:$0xB20];
	v32 =	vmul.f32 v23, v0;
	[tilespmem:$0xEB0] =	vst v28  }
0xf1: {  	v35 =	vld [tilespmem:$0xB30];
	v34 =	vmul.f32 v25, v0;
	[tilespmem:$0xEC0] =	vst v30  }
0xf2: {  	v37 =	vld [tilespmem:$0xB40];
	v36 =	vmul.f32 v27, v0;
	[tilespmem:$0xED0] =	vst v32  }
0xf3: {  	v39 =	vld [tilespmem:$0xB50];
	v38 =	vmul.f32 v29, v0;
	[tilespmem:$0xEE0] =	vst v34  }
0xf4: {  	v41 =	vld [tilespmem:$0xB60];
	v40 =	vmul.f32 v31, v0;
	[tilespmem:$0xEF0] =	vst v36  }
0xf5: {  	v43 =	vld [tilespmem:$0xB70];
	v42 =	vmul.f32 v33, v0;
	[tilespmem:$0xF00] =	vst v38  }
0xf6: {  	v45 =	vld [tilespmem:$0xB80];
	v44 =	vmul.f32 v35, v0;
	[tilespmem:$0xF10] =	vst v40  }
0xf7: {  	v47 =	vld [tilespmem:$0xB90];
	v46 =	vmul.f32 v37, v0;
	[tilespmem:$0xF20] =	vst v42  }
0xf8: {  	v49 =	vld [tilespmem:$0xBA0];
	v48 =	vmul.f32 v39, v0;
	[tilespmem:$0xF30] =	vst v44  }
0xf9: {  	v51 =	vld [tilespmem:$0xBB0];
	v50 =	vmul.f32 v41, v0;
	[tilespmem:$0xF40] =	vst v46  }
0xfa: {  	v53 =	vld [tilespmem:$0xBC0];
	v52 =	vmul.f32 v43, v0;
	[tilespmem:$0xF50] =	vst v48  }
0xfb: {  	v55 =	vld [tilespmem:$0xBD0];
	v54 =	vmul.f32 v45, v0;
	[tilespmem:$0xF60] =	vst v50  }
0xfc: {  	v56 =	vmul.f32 v47, v0;
	v57 =	vld [tilespmem:$0xBE0];
	[tilespmem:$0xF70] =	vst v52  }
0xfd: {  	v58 =	vmul.f32 v49, v0;
	v59 =	vld [tilespmem:$0xBF0];
	[tilespmem:$0xF80] =	vst v54  }
0xfe: {  	v60 =	vmul.f32 v51, v0;
	[tilespmem:$0xF90] =	vst v56  }
0xff: {  	v61 =	vmul.f32 v53, v0;
	[tilespmem:$0xFA0] =	vst v58  }
0x100: {  	v62 =	vmul.f32 v55, v0;
	[tilespmem:$0xFB0] =	vst v60  }
0x101: {  	s9 =	sshll.u32 s9, $0xA;
	[tilespmem:$0xFC0] =	vst v61;
	v63 =	vmul.f32 v57, v0  }
0x102: {  	s9 =	sor.u32 s10, s9;
	[tilespmem:$0xFD0] =	vst v62;
	v0 =	vmul.f32 v59, v0  }
0x103: {  	s9 =	sshrl.u32 s9, $0x3;
	[tilespmem:$0xFE0] =	vst v63  }
0x104: {  	s30 =	simm.s32 $0x1000;
	s3 =	sadd.s32 s3, s9;
	[tilespmem:$0xFF0] =	vst v0  }
0x105: {  	[hbm4b:s3+s4] =	stream.linear.scatter [tilespmem:s30], [sflag:$0x1], $0x80, $0x38;
	[tilespmem:$0x1100] =	vst v63  }
0x106: {  	s31 =	simm.s32 $0xC00;
	s2 =	sadd.s32 s2, s5  }
0x107: {  	[hbm4b:s2+s23] =	stream.strided.scatter [tilespmem:s31], [sflag:$0x1], $0x400, s7, s23, $0x38;
	[tilespmem:$0x1100] =	vst v63  }
0x108: {  	_ =	swait.ge [sflag:s26], $0x80  }
0x109: {  	[sflag:s26] =	ssyncset.done $0x0  }
0x10a: {  	[sflag:s26] =	ssyncadd.s32 $0xFFFFFF80  }
0x10b: {  	_ =	swait.ge [sflag:s26], $0x400  }
0x10c: {  	[sflag:s26] =	ssyncset.done $0x0  }
0x10d: {  	[sflag:s26] =	ssyncadd.s32 $0xFFFFFC00  }
0x10e: {  	_ =	sfence.sel $0x180000  }
0x10f: {  	[bflag:$0x0] =	sbarrier.arrive $0xFFFF  }
0x110: {  	p0 =	sne.s32 s1, $0x0;
	_ =	strace $0x90000047  }
0x111: {  	s0 =	sadd.s32 @!p0 $0x100000, s0;
	[bflag:$0x2] =	sbarrier.arrive $0xFFFF  }
0x112: {  	[sflag:s0] =	ssyncadd.tile.s32 @!p0 $0x1;
	_ =	shalt  }
.Lfunc_end2:
_tile_overlayer_lowered:
.L_overlay_start_2:
0x113: {  	(tag) =	ssettag $0x2  }
0x114: {  	s0 =	rddreg [dreg:$0x0];
	s2 =	stileid.u32  }
0x115: {  	s1 =	rddreg [dreg:$0x1];
	p0 =	sne.s32 s2, $0x0  }
0x116: {  	s3 =	rddreg [dreg:$0x2];
	[bflag:$0x3] =	sbarrier.arrive $0xFFFF;
	s2 =	simm.s32 @!p0 $0x1C02  }
0x117: {  	[timem:s3], [sflag:s2] =	dma.local @!p0 [hbm:s0], s1  }
0x118: {  	s0 =	simm.s32 @!p0 $0x2  }
0x119: {  	_ =	swait.ge @!p0 [sflag:s0], s1  }
0x11a: {  	s1 =	ssub.s32 @!p0 $0x0, s1;
	[sflag:s0] =	ssyncset.done @!p0 $0x0  }
0x11b: {  	[sflag:s0] =	ssyncadd.s32 @!p0 s1  }
0x11c: {  	[bflag:$0x3] =	sbarrier.arrive $0xFFFF  }
0x11d: {  	_ =	shalt  }

</sc_bundles>
